<compile_context>
chip_gen: v7x
topology: tpu7x:2x2x1
jax: 0.10.2.dev20260603
libtpu: 0.0.44.dev20260713+nightly
codegen_flags: <defaults>
</compile_context>

<pallas_src>
import functools

import jax
import jax.numpy as jnp
from jax import lax
from jax.experimental import pallas as pl
from jax.experimental.pallas import tpu as pltpu
from jax.experimental.pallas import tpu_sc as plsc

IN_CH = 64
LAT = 64
K_EMB = 8192
EDIM = 64
L_OUT = 1025
L_PAD = 1056
N_B = 8
R_TOT = N_B * L_PAD
R_TILE = 768
K_TILE = 2048
_PREC = lax.Precision.DEFAULT


def _csq_body(cb_ref, csq_ref):
    cbf = cb_ref[...]
    ones = jnp.ones((1, EDIM), dtype=jnp.float32)
    csq_ref[...] = lax.dot_general(ones, cbf * cbf, (((1,), (1,)), ((), ())),
                                   preferred_element_type=jnp.float32,
                                   precision=lax.Precision.HIGHEST)


def _enc_vq_body(a_ref, b_ref, wa_ref, wb_ref, bc_ref, cb_ref,
                 csq_ref, z_ref, idx_ref):
    zt = jnp.dot(a_ref[...], wa_ref[...], preferred_element_type=jnp.float32,
                 precision=_PREC)
    zt += jnp.dot(b_ref[...], wb_ref[...], preferred_element_type=jnp.float32,
                  precision=_PREC)
    zt += bc_ref[...]
    z_ref[...] = zt

    zt2 = zt * -2.0
    lanes = 128
    nsub = K_TILE // lanes
    ibase = lax.broadcasted_iota(jnp.int32, (R_TILE, lanes), 1).astype(jnp.float32)
    iotas = [ibase + jnp.float32(j * lanes) for j in range(nsub)]
    big = jnp.float32(1e9)
    best = jnp.full((R_TILE, 1), jnp.inf, dtype=jnp.float32)
    bidx = jnp.zeros((R_TILE, 1), dtype=jnp.float32)
    for kc in range(K_EMB // K_TILE):
        cbk = cb_ref[kc * K_TILE:(kc + 1) * K_TILE, :]
        d = lax.dot_general(zt2, cbk, (((1,), (1,)), ((), ())),
                            preferred_element_type=jnp.float32,
                            precision=_PREC)
        v = d[:, 0:lanes] + csq_ref[:, kc * K_TILE:kc * K_TILE + lanes]
        vi = iotas[0]
        for j in range(1, nsub):
            dj = (d[:, j * lanes:(j + 1) * lanes]
                  + csq_ref[:, kc * K_TILE + j * lanes:
                            kc * K_TILE + (j + 1) * lanes])
            upd = dj < v
            v = jnp.where(upd, dj, v)
            vi = jnp.where(upd, iotas[j], vi)
        m = jnp.min(v, axis=1, keepdims=True)
        sel = jnp.where(v == m, vi, big)
        a = jnp.min(sel, axis=1, keepdims=True) + jnp.float32(kc * K_TILE)
        upd = m < best
        best = jnp.where(upd, m, best)
        bidx = jnp.where(upd, a, bidx)
    idx_ref[...] = bidx.astype(jnp.int32)


def _dec_body(zq_ref, m_ref, bt_ref, xe_ref, xo_ref):
    blk = zq_ref[...]
    a = blk[0:1024]
    b = blk[1:1025]
    bt = bt_ref[...]
    xe_ref[...] = (jnp.dot(b, m_ref[0], preferred_element_type=jnp.float32,
                           precision=_PREC)
                   + jnp.dot(a, m_ref[2], preferred_element_type=jnp.float32,
                             precision=_PREC) + bt)
    xo_ref[...] = (jnp.dot(b, m_ref[1], preferred_element_type=jnp.float32,
                           precision=_PREC)
                   + jnp.dot(a, m_ref[3], preferred_element_type=jnp.float32,
                             precision=_PREC) + bt)


def _sc_gather(idx, table):
    info = plsc.get_sparse_core_info()
    nw = info.num_cores * info.num_subcores
    nb = idx.shape[0]
    b_per_w = nb // nw
    dpad = 128

    table_p = jnp.pad(table, ((0, 0), (0, dpad - EDIM)))
    mesh = plsc.VectorSubcoreMesh(core_axis_name="c", subcore_axis_name="s")

    @functools.partial(
        pl.kernel, mesh=mesh,
        out_type=jax.ShapeDtypeStruct((nb, dpad), jnp.float32),
        scratch_types=[
            pltpu.VMEM((b_per_w,), jnp.int32),
            pltpu.VMEM((b_per_w, dpad), jnp.float32),
            pltpu.SemaphoreType.DMA,
        ],
    )
    def gather_k(idx_hbm, table_hbm, out_hbm, idx_v, rows_v, sem):
        wid = lax.axis_index("s") * info.num_cores + lax.axis_index("c")
        base = wid * b_per_w
        pltpu.sync_copy(idx_hbm.at[pl.ds(base, b_per_w)], idx_v)
        pltpu.async_copy(table_hbm.at[idx_v], rows_v, sem).wait()
        pltpu.sync_copy(rows_v, out_hbm.at[pl.ds(base, b_per_w)])

    return gather_k(idx, table_p)[:, :EDIM]


def kernel(x, Wc, bc, codebook, Wt, bt):
    n, c, l_in = x.shape

    xT = jnp.transpose(x, (0, 2, 1))
    a_in = jnp.pad(xT, ((0, 0), (2, 2 * L_PAD - l_in - 2), (0, 0))
                   ).reshape(R_TOT, 2 * c)
    b_in = jnp.pad(xT, ((0, 0), (0, 2 * L_PAD - l_in), (0, 0))
                   ).reshape(R_TOT, 2 * c)
    wstack = jnp.transpose(Wc, (2, 1, 0))
    wa = jnp.concatenate([wstack[0], wstack[1]], axis=0)
    wb = jnp.concatenate([wstack[2], wstack[3]], axis=0)
    bc2 = bc[None, :]

    csq = pl.pallas_call(
        _csq_body,
        out_shape=jax.ShapeDtypeStruct((1, K_EMB), jnp.float32),
    )(codebook)

    wfull = pl.BlockSpec((2 * c, c), lambda i: (0, 0))
    row_spec = pl.BlockSpec((R_TILE, c), lambda i: (i, 0))
    row_spec2 = pl.BlockSpec((R_TILE, 2 * c), lambda i: (i, 0))
    z_rows, idx2d = pl.pallas_call(
        _enc_vq_body,
        grid=(R_TOT // R_TILE,),
        in_specs=[row_spec2, row_spec2, wfull, wfull,
                  pl.BlockSpec((1, c), lambda i: (0, 0)),
                  pl.BlockSpec((K_EMB, EDIM), lambda i: (0, 0)),
                  pl.BlockSpec((1, K_EMB), lambda i: (0, 0))],
        out_specs=[row_spec, pl.BlockSpec((R_TILE, 1), lambda i: (i, 0))],
        out_shape=[jax.ShapeDtypeStruct((R_TOT, c), jnp.float32),
                   jax.ShapeDtypeStruct((R_TOT, 1), jnp.int32)],
    )(a_in, b_in, wa, wb, bc2, codebook, csq)

    idx_flat = idx2d[:, 0]
    zq_rows = _sc_gather(idx_flat, codebook)

    zq3 = zq_rows.reshape(n, L_PAD, c)
    mstack = jnp.transpose(Wt, (2, 0, 1))
    bt2 = bt[None, :]

    full3 = pl.BlockSpec((4, c, c), lambda i: (0, 0, 0))
    xe, xo = pl.pallas_call(
        _dec_body,
        grid=(n,),
        in_specs=[pl.BlockSpec((L_PAD, c), lambda i: (i, 0)), full3,
                  pl.BlockSpec((1, c), lambda i: (0, 0))],
        out_specs=[pl.BlockSpec((1024, c), lambda i: (i, 0)),
                   pl.BlockSpec((1024, c), lambda i: (i, 0))],
        out_shape=[jax.ShapeDtypeStruct((n * 1024, c), jnp.float32),
                   jax.ShapeDtypeStruct((n * 1024, c), jnp.float32)],
    )(zq_rows, mstack, bt2)

    x_recon = jnp.stack([xe.reshape(n, 1024, c), xo.reshape(n, 1024, c)],
                        axis=2).reshape(n, 2048, c).transpose(0, 2, 1)
    z_e = z_rows.reshape(n, L_PAD, c)[:, :L_OUT].transpose(0, 2, 1)
    z_q = zq3[:, :L_OUT].transpose(0, 2, 1)
    indices = idx_flat.reshape(n, L_PAD)[:, :L_OUT]
    return x_recon, z_e, z_q, indices

# --- scband reference (transcript-rebuilt; emitter-appended) ---
"""Pipeline reference for scband-totemvqvae-90151363543330 (READ-ONLY COPY).

The authoritative reference and input builder live on the scoring server;
editing this copy changes nothing except your own understanding.
"""

import jax, jax.numpy as jnp
from jax import lax
import numpy as np

IN_CH = 64
LAT = 64
K_EMB = 8192
EDIM = 64
KS = 4
STRIDE = 2
PAD = KS // 2  # 2


def setup_inputs(seed: int = 0) -> dict:
    key = jax.random.key(seed)
    ks = jax.random.split(key, 6)
    x = jax.random.normal(ks[0], (8, IN_CH, 2048), dtype=jnp.float32)
    # encoder Conv1d weight: (out_ch=LAT, in_ch=IN_CH, KS), PyTorch init scale
    bc_scale = 1.0 / np.sqrt(IN_CH * KS)
    Wc = jax.random.uniform(ks[1], (LAT, IN_CH, KS), dtype=jnp.float32, minval=-bc_scale, maxval=bc_scale)
    bc = jax.random.uniform(ks[2], (LAT,), dtype=jnp.float32, minval=-bc_scale, maxval=bc_scale)
    # codebook: (K_EMB, EDIM), nn.Embedding default init N(0,1)
    codebook = jax.random.normal(ks[3], (K_EMB, EDIM), dtype=jnp.float32)
    # decoder ConvTranspose1d weight: PyTorch shape (in_ch=LAT, out_ch=IN_CH, KS)
    bt_scale = 1.0 / np.sqrt(LAT * KS)
    Wt = jax.random.uniform(ks[4], (LAT, IN_CH, KS), dtype=jnp.float32, minval=-bt_scale, maxval=bt_scale)
    bt = jax.random.uniform(ks[5], (IN_CH,), dtype=jnp.float32, minval=-bt_scale, maxval=bt_scale)
    return {"x": x, "Wc": Wc, "bc": bc, "codebook": codebook, "Wt": Wt, "bt": bt}


def _forward(x, Wc, bc, codebook, Wt, bt):
    # Encoder: Conv1d(in, latent, k=4, stride=2, padding=2)
    z_e = lax.conv_general_dilated(
        x, Wc, window_strides=(STRIDE,), padding=((PAD, PAD),),
        dimension_numbers=("NCH", "OIH", "NCH"))
    z_e = z_e + bc[None, :, None]
    N, C, L = z_e.shape
    z_e_flat = jnp.transpose(z_e, (0, 2, 1)).reshape(-1, C)
    z_e_sq = jnp.sum(z_e_flat ** 2, axis=1, keepdims=True)
    cbook_sq = jnp.sum(codebook ** 2, axis=1)
    dist = z_e_sq + cbook_sq[None, :] - 2.0 * jnp.matmul(z_e_flat, codebook.T)
    indices = jnp.argmin(dist, axis=-1)
    z_q_flat = jnp.take(codebook, indices, axis=0)  # embedding gather
    z_q = jnp.transpose(z_q_flat.reshape(N, L, C), (0, 2, 1))
    # Decoder: ConvTranspose1d(latent, in, k=4, stride=2, padding=2)
    # equivalent to lhs-dilated conv with flipped, channel-transposed kernel
    Wt_r = jnp.transpose(Wt, (1, 0, 2))[:, :, ::-1]  # (out_ch, in_ch, KS)
    x_recon = lax.conv_general_dilated(
        z_q, Wt_r, window_strides=(1,), padding=((KS - 1 - PAD, KS - 1 - PAD),),
        lhs_dilation=(STRIDE,), dimension_numbers=("NCH", "OIH", "NCH"))
    x_recon = x_recon + bt[None, :, None]
    return x_recon, z_e, z_q, indices.reshape(N, L)


def reference(x, Wc, bc, codebook, Wt, bt):
    return _forward(x, Wc, bc, codebook, Wt, bt)

if __name__ == "__main__":
    import jax
    _d = setup_inputs()
    print(jax.jit(kernel)(*tuple(_d.values())))

</pallas_src>

<mosaic_0001>
#map = affine_map<(d0, d1) -> (0)>
#map1 = affine_map<(d0, d1) -> (0, 0)>
module attributes {stable_mosaic.version = 14 : i64} {
  func.func @gather_k(%arg0: i32, %arg1: i32, %arg2: memref<8448xi32, #tpu.memory_space<hbm>>, %arg3: memref<8192x128xf32, #tpu.memory_space<hbm>>, %arg4: memref<8448x128xf32, #tpu.memory_space<hbm>>, %arg5: memref<264xi32, #tpu.memory_space<vmem>>, %arg6: memref<264x128xf32, #tpu.memory_space<vmem>>, %arg7: memref<!tpu.dma_semaphore, #tpu.memory_space<semaphore_mem>>) attributes {dimension_semantics = [#tpu.dimension_semantics<core_parallel>, #tpu.dimension_semantics<subcore_parallel>], iteration_bounds = array<i64: 2, 16>, scalar_prefetch = 0 : i64, scratch_operands = 3 : i64, tpu.core_type = #tpu.core_type<sc_vector_subcore>, window_params = [{transform_indices = #map}, {transform_indices = #map1}, {transform_indices = #map1}]} {
    %mul3A = arith.constant 2 : i32
    %mul3A_0 = arith.muli %arg1, %mul3A : i32
    %add3A = arith.addi %mul3A_0, %arg0 : i32
    %mul3A_1 = arith.constant 264 : i32
    %mul3A_2 = arith.muli %add3A, %mul3A_1 : i32
    "tpu.region"() ({
      %run_scoped3A = tpu.sem_alloc : memref<!tpu.dma_semaphore, #tpu.memory_space<semaphore_mem>>
      %dma_start3A_7 = tpu.memref_slice %arg2[%mul3A_2] : memref<8448xi32, #tpu.memory_space<hbm>> -> memref<264xi32, #tpu.memory_space<hbm>>
      %dma_start3A_8 = tpu.memref_slice %arg2[%mul3A_2] : memref<8448xi32, #tpu.memory_space<hbm>> -> memref<264xi32, #tpu.memory_space<hbm>>
      tpu.enqueue_dma source(%dma_start3A_8 : memref<264xi32, #tpu.memory_space<hbm>>) target(%arg5 : memref<264xi32, #tpu.memory_space<vmem>>) target_semaphore(%run_scoped3A : memref<!tpu.dma_semaphore, #tpu.memory_space<semaphore_mem>>)
      %dma_wait3A_9 = tpu.memref_slice %arg2[%mul3A_2] : memref<8448xi32, #tpu.memory_space<hbm>> -> memref<264xi32, #tpu.memory_space<hbm>>
      %dma_wait3A_10 = tpu.memref_slice %arg2[%mul3A_2] : memref<8448xi32, #tpu.memory_space<hbm>> -> memref<264xi32, #tpu.memory_space<hbm>>
      tpu.wait_dma2 semaphore(%run_scoped3A : memref<!tpu.dma_semaphore, #tpu.memory_space<semaphore_mem>>) src(%dma_wait3A_10 : memref<264xi32, #tpu.memory_space<hbm>>) dst(%arg5 : memref<264xi32, #tpu.memory_space<vmem>>)
      tpu.yield
    }) : () -> ()
    %dma_start3A = arith.constant 0 : i32
    %dma_start3A_3 = arith.constant 0 : i32
    %dma_start3A_4 = tpu.memref_slice %arg3[%dma_start3A, %dma_start3A_3] : memref<8192x128xf32, #tpu.memory_space<hbm>> -> memref<8192x128xf32, #tpu.memory_space<hbm>>
    tpu.enqueue_indirect_dma source(%dma_start3A_4 : memref<8192x128xf32, #tpu.memory_space<hbm>>) target(%arg6 : memref<264x128xf32, #tpu.memory_space<vmem>>) offsets(%arg5 : memref<264xi32, #tpu.memory_space<vmem>>) semaphore(%arg7 : memref<!tpu.dma_semaphore, #tpu.memory_space<semaphore_mem>>)
    %dma_wait3A = arith.constant 0 : i32
    %dma_wait3A_5 = arith.constant 0 : i32
    %dma_wait3A_6 = tpu.memref_slice %arg3[%dma_wait3A, %dma_wait3A_5] : memref<8192x128xf32, #tpu.memory_space<hbm>> -> memref<8192x128xf32, #tpu.memory_space<hbm>>
    tpu.wait_indirect_dma semaphore(%arg7 : memref<!tpu.dma_semaphore, #tpu.memory_space<semaphore_mem>>) src(%dma_wait3A_6 : memref<8192x128xf32, #tpu.memory_space<hbm>>) dst(%arg6 : memref<264x128xf32, #tpu.memory_space<vmem>>)
    "tpu.region"() ({
      %run_scoped3A = tpu.sem_alloc : memref<!tpu.dma_semaphore, #tpu.memory_space<semaphore_mem>>
      %dma_start3A_7 = arith.constant 0 : i32
      %dma_start3A_8 = tpu.memref_slice %arg4[%mul3A_2, %dma_start3A_7] : memref<8448x128xf32, #tpu.memory_space<hbm>> -> memref<264x128xf32, #tpu.memory_space<hbm>>
      %dma_start3A_9 = arith.constant 0 : i32
      %dma_start3A_10 = tpu.memref_slice %arg4[%mul3A_2, %dma_start3A_9] : memref<8448x128xf32, #tpu.memory_space<hbm>> -> memref<264x128xf32, #tpu.memory_space<hbm>>
      tpu.enqueue_dma source(%arg6 : memref<264x128xf32, #tpu.memory_space<vmem>>) target(%dma_start3A_10 : memref<264x128xf32, #tpu.memory_space<hbm>>) target_semaphore(%run_scoped3A : memref<!tpu.dma_semaphore, #tpu.memory_space<semaphore_mem>>)
      %dma_wait3A_11 = arith.constant 0 : i32
      %dma_wait3A_12 = tpu.memref_slice %arg4[%mul3A_2, %dma_wait3A_11] : memref<8448x128xf32, #tpu.memory_space<hbm>> -> memref<264x128xf32, #tpu.memory_space<hbm>>
      %dma_wait3A_13 = arith.constant 0 : i32
      %dma_wait3A_14 = tpu.memref_slice %arg4[%mul3A_2, %dma_wait3A_13] : memref<8448x128xf32, #tpu.memory_space<hbm>> -> memref<264x128xf32, #tpu.memory_space<hbm>>
      tpu.wait_dma2 semaphore(%run_scoped3A : memref<!tpu.dma_semaphore, #tpu.memory_space<semaphore_mem>>) src(%arg6 : memref<264x128xf32, #tpu.memory_space<vmem>>) dst(%dma_wait3A_14 : memref<264x128xf32, #tpu.memory_space<hbm>>)
      tpu.yield
    }) : () -> ()
    return
  }
}

module attributes {stable_mosaic.version = 14 : i64} {
  func.func @_csq_body(%arg0: memref<8192x64xf32, #tpu.memory_space<vmem>>, %arg1: memref<1x8192xf32, #tpu.memory_space<vmem>>) attributes {dimension_semantics = [], scalar_prefetch = 0 : i64, scratch_operands = 0 : i64, tpu.core_type = #tpu.core_type<tc>} {
    %get3A = arith.constant 0 : index
    %get3A_0 = arith.constant 0 : index
    %get3A_1 = vector.load %arg0[%get3A, %get3A_0] : memref<8192x64xf32, #tpu.memory_space<vmem>>, vector<8192x64xf32>
    %broadcast_in_dim3A = arith.constant 1.000000e+00 : f32
    %broadcast_in_dim3A_2 = vector.broadcast %broadcast_in_dim3A : f32 to vector<1x64xf32>
    %mul3A = arith.mulf %get3A_1, %get3A_1 : vector<8192x64xf32>
    %dot_general3A = arith.constant dense<0.000000e+00> : vector<1x8192xf32>
    %dot_general3A_3 = tpu.matmul %broadcast_in_dim3A_2, %mul3A, %dot_general3A {dimension_numbers = #tpu.dot_dimension_numbers<[1], [1], [0], [0], [0, 0, 1, 0], [], []>, precision = #tpu.contract_precision<fp32>, transpose_lhs_hint = false} : vector<1x64xf32>, vector<8192x64xf32>, vector<1x8192xf32> -> vector<1x8192xf32>
    %swap3A = arith.constant 0 : index
    %swap3A_4 = arith.constant 0 : index
    %swap3A_5 = vector.load %arg1[%swap3A, %swap3A_4] : memref<1x8192xf32, #tpu.memory_space<vmem>>, vector<1x8192xf32>
    tpu.vector_store %arg1[%swap3A, %swap3A_4], %dot_general3A_3 {strides = array<i32>} : memref<1x8192xf32, #tpu.memory_space<vmem>>, vector<1x8192xf32>,
    return
  }
}

module attributes {stable_mosaic.version = 14 : i64} {
  func.func @_enc_vq_body(%arg0: i32, %arg1: memref<768x128xf32, #tpu.memory_space<vmem>>, %arg2: memref<768x128xf32, #tpu.memory_space<vmem>>, %arg3: memref<128x64xf32, #tpu.memory_space<vmem>>, %arg4: memref<128x64xf32, #tpu.memory_space<vmem>>, %arg5: memref<1x64xf32, #tpu.memory_space<vmem>>, %arg6: memref<8192x64xf32, #tpu.memory_space<vmem>>, %arg7: memref<1x8192xf32, #tpu.memory_space<vmem>>, %arg8: memref<768x64xf32, #tpu.memory_space<vmem>>, %arg9: memref<768x1xi32, #tpu.memory_space<vmem>>) attributes {dimension_semantics = [#tpu.dimension_semantics<arbitrary>], iteration_bounds = array<i64: 11>, scalar_prefetch = 0 : i64, scratch_operands = 0 : i64, tpu.core_type = #tpu.core_type<tc>, window_params = [{transform_indices = @transform_0, window_bounds = array<i64: 768, 128>}, {transform_indices = @transform_1, window_bounds = array<i64: 768, 128>}, {pipeline_mode = #tpu.pipeline_mode<synchronous>, transform_indices = @transform_2, window_bounds = array<i64: 128, 64>}, {pipeline_mode = #tpu.pipeline_mode<synchronous>, transform_indices = @transform_3, window_bounds = array<i64: 128, 64>}, {pipeline_mode = #tpu.pipeline_mode<synchronous>, transform_indices = @transform_4, window_bounds = array<i64: 1, 64>}, {pipeline_mode = #tpu.pipeline_mode<synchronous>, transform_indices = @transform_5, window_bounds = array<i64: 8192, 64>}, {pipeline_mode = #tpu.pipeline_mode<synchronous>, transform_indices = @transform_6, window_bounds = array<i64: 1, 8192>}, {transform_indices = @transform_7, window_bounds = array<i64: 768, 64>}, {transform_indices = @transform_8, window_bounds = array<i64: 768, 1>}]} {
    %get3A = arith.constant 0 : index
    %get3A_0 = arith.constant 0 : index
    %get3A_1 = vector.load %arg1[%get3A, %get3A_0] : memref<768x128xf32, #tpu.memory_space<vmem>>, vector<768x128xf32>
    %get3A_2 = arith.constant 0 : index
    %get3A_3 = arith.constant 0 : index
    %get3A_4 = vector.load %arg3[%get3A_2, %get3A_3] : memref<128x64xf32, #tpu.memory_space<vmem>>, vector<128x64xf32>
    %dot_general3A = arith.constant dense<0.000000e+00> : vector<768x64xf32>
    %dot_general3A_5 = tpu.matmul %get3A_1, %get3A_4, %dot_general3A {dimension_numbers = #tpu.dot_dimension_numbers<[1], [0], [0], [1], [0, 0, 1, 1], [], []>, transpose_lhs_hint = false} : vector<768x128xf32>, vector<128x64xf32>, vector<768x64xf32> -> vector<768x64xf32>
    %get3A_6 = arith.constant 0 : index
    %get3A_7 = arith.constant 0 : index
    %get3A_8 = vector.load %arg2[%get3A_6, %get3A_7] : memref<768x128xf32, #tpu.memory_space<vmem>>, vector<768x128xf32>
    %get3A_9 = arith.constant 0 : index
    %get3A_10 = arith.constant 0 : index
    %get3A_11 = vector.load %arg4[%get3A_9, %get3A_10] : memref<128x64xf32, #tpu.memory_space<vmem>>, vector<128x64xf32>
    %dot_general3A_12 = arith.constant dense<0.000000e+00> : vector<768x64xf32>
    %dot_general3A_13 = tpu.matmul %get3A_8, %get3A_11, %dot_general3A_12 {dimension_numbers = #tpu.dot_dimension_numbers<[1], [0], [0], [1], [0, 0, 1, 1], [], []>, transpose_lhs_hint = false} : vector<768x128xf32>, vector<128x64xf32>, vector<768x64xf32> -> vector<768x64xf32>
    %add3A = arith.addf %dot_general3A_5, %dot_general3A_13 : vector<768x64xf32>
    %get3A_14 = arith.constant 0 : index
    %get3A_15 = arith.constant 0 : index
    %get3A_16 = vector.load %arg5[%get3A_14, %get3A_15] : memref<1x64xf32, #tpu.memory_space<vmem>>, vector<1x64xf32>
    %add3A_17 = vector.broadcast %get3A_16 : vector<1x64xf32> to vector<768x64xf32>
    %add3A_18 = arith.addf %add3A, %add3A_17 : vector<768x64xf32>
    %swap3A = arith.constant 0 : index
    %swap3A_19 = arith.constant 0 : index
    %swap3A_20 = vector.load %arg8[%swap3A, %swap3A_19] : memref<768x64xf32, #tpu.memory_space<vmem>>, vector<768x64xf32>
    tpu.vector_store %arg8[%swap3A, %swap3A_19], %add3A_18 {strides = array<i32>} : memref<768x64xf32, #tpu.memory_space<vmem>>, vector<768x64xf32>,
    %mul3A = arith.constant -2.000000e+00 : f32
    %mul3A_21 = vector.broadcast %mul3A : f32 to vector<768x64xf32>
    %mul3A_22 = arith.mulf %add3A_18, %mul3A_21 : vector<768x64xf32>
    %iota3A = tpu.iota {dimensions = array<i32: 1>} : vector<768x128xi32>
    %convert_element_type3A = arith.sitofp %iota3A : vector<768x128xi32> to vector<768x128xf32>
    %add3A_23 = arith.constant 0.000000e+00 : f32
    %add3A_24 = vector.broadcast %add3A_23 : f32 to vector<768x128xf32>
    %add3A_25 = arith.addf %convert_element_type3A, %add3A_24 : vector<768x128xf32>
    %add3A_26 = arith.constant 1.280000e+02 : f32
    %add3A_27 = vector.broadcast %add3A_26 : f32 to vector<768x128xf32>
    %add3A_28 = arith.addf %convert_element_type3A, %add3A_27 : vector<768x128xf32>
    %add3A_29 = arith.constant 2.560000e+02 : f32
    %add3A_30 = vector.broadcast %add3A_29 : f32 to vector<768x128xf32>
    %add3A_31 = arith.addf %convert_element_type3A, %add3A_30 : vector<768x128xf32>
    %add3A_32 = arith.constant 3.840000e+02 : f32
    %add3A_33 = vector.broadcast %add3A_32 : f32 to vector<768x128xf32>
    %add3A_34 = arith.addf %convert_element_type3A, %add3A_33 : vector<768x128xf32>
    %add3A_35 = arith.constant 5.120000e+02 : f32
    %add3A_36 = vector.broadcast %add3A_35 : f32 to vector<768x128xf32>
    %add3A_37 = arith.addf %convert_element_type3A, %add3A_36 : vector<768x128xf32>
    %add3A_38 = arith.constant 6.400000e+02 : f32
    %add3A_39 = vector.broadcast %add3A_38 : f32 to vector<768x128xf32>
    %add3A_40 = arith.addf %convert_element_type3A, %add3A_39 : vector<768x128xf32>
    %add3A_41 = arith.constant 7.680000e+02 : f32
    %add3A_42 = vector.broadcast %add3A_41 : f32 to vector<768x128xf32>
    %add3A_43 = arith.addf %convert_element_type3A, %add3A_42 : vector<768x128xf32>
    %add3A_44 = arith.constant 8.960000e+02 : f32
    %add3A_45 = vector.broadcast %add3A_44 : f32 to vector<768x128xf32>
    %add3A_46 = arith.addf %convert_element_type3A, %add3A_45 : vector<768x128xf32>
    %add3A_47 = arith.constant 1.024000e+03 : f32
    %add3A_48 = vector.broadcast %add3A_47 : f32 to vector<768x128xf32>
    %add3A_49 = arith.addf %convert_element_type3A, %add3A_48 : vector<768x128xf32>
    %add3A_50 = arith.constant 1.152000e+03 : f32
    %add3A_51 = vector.broadcast %add3A_50 : f32 to vector<768x128xf32>
    %add3A_52 = arith.addf %convert_element_type3A, %add3A_51 : vector<768x128xf32>
    %add3A_53 = arith.constant 1.280000e+03 : f32
    %add3A_54 = vector.broadcast %add3A_53 : f32 to vector<768x128xf32>
    %add3A_55 = arith.addf %convert_element_type3A, %add3A_54 : vector<768x128xf32>
    %add3A_56 = arith.constant 1.408000e+03 : f32
    %add3A_57 = vector.broadcast %add3A_56 : f32 to vector<768x128xf32>
    %add3A_58 = arith.addf %convert_element_type3A, %add3A_57 : vector<768x128xf32>
    %add3A_59 = arith.constant 1.536000e+03 : f32
    %add3A_60 = vector.broadcast %add3A_59 : f32 to vector<768x128xf32>
    %add3A_61 = arith.addf %convert_element_type3A, %add3A_60 : vector<768x128xf32>
    %add3A_62 = arith.constant 1.664000e+03 : f32
    %add3A_63 = vector.broadcast %add3A_62 : f32 to vector<768x128xf32>
    %add3A_64 = arith.addf %convert_element_type3A, %add3A_63 : vector<768x128xf32>
    %add3A_65 = arith.constant 1.792000e+03 : f32
    %add3A_66 = vector.broadcast %add3A_65 : f32 to vector<768x128xf32>
    %add3A_67 = arith.addf %convert_element_type3A, %add3A_66 : vector<768x128xf32>
    %add3A_68 = arith.constant 1.920000e+03 : f32
    %add3A_69 = vector.broadcast %add3A_68 : f32 to vector<768x128xf32>
    %add3A_70 = arith.addf %convert_element_type3A, %add3A_69 : vector<768x128xf32>
    %broadcast_in_dim3A = arith.constant 0x7F800000 : f32
    %broadcast_in_dim3A_71 = vector.broadcast %broadcast_in_dim3A : f32 to vector<768x1xf32>
    %broadcast_in_dim3A_72 = arith.constant 0.000000e+00 : f32
    %broadcast_in_dim3A_73 = vector.broadcast %broadcast_in_dim3A_72 : f32 to vector<768x1xf32>
    %get3A_74 = arith.constant 0 : index
    %get3A_75 = arith.constant 0 : index
    %get3A_76 = vector.load %arg6[%get3A_74, %get3A_75] : memref<8192x64xf32, #tpu.memory_space<vmem>>, vector<2048x64xf32>
    %dot_general3A_77 = arith.constant dense<0.000000e+00> : vector<768x2048xf32>
    %dot_general3A_78 = tpu.matmul %mul3A_22, %get3A_76, %dot_general3A_77 {dimension_numbers = #tpu.dot_dimension_numbers<[1], [1], [0], [0], [0, 0, 1, 0], [], []>, transpose_lhs_hint = false} : vector<768x64xf32>, vector<2048x64xf32>, vector<768x2048xf32> -> vector<768x2048xf32>
    %slice3A = vector.extract_strided_slice %dot_general3A_78 {offsets = [0, 0], sizes = [768, 128], strides = [1, 1]} : vector<768x2048xf32> to vector<768x128xf32>
    %get3A_79 = arith.constant 0 : index
    %get3A_80 = arith.constant 0 : index
    %get3A_81 = vector.load %arg7[%get3A_79, %get3A_80] : memref<1x8192xf32, #tpu.memory_space<vmem>>, vector<1x128xf32>
    %add3A_82 = vector.broadcast %get3A_81 : vector<1x128xf32> to vector<768x128xf32>
    %add3A_83 = arith.addf %slice3A, %add3A_82 : vector<768x128xf32>
    %slice3A_84 = vector.extract_strided_slice %dot_general3A_78 {offsets = [0, 128], sizes = [768, 128], strides = [1, 1]} : vector<768x2048xf32> to vector<768x128xf32>
    %get3A_85 = arith.constant 0 : index
    %get3A_86 = arith.constant 128 : index
    %get3A_87 = vector.load %arg7[%get3A_85, %get3A_86] : memref<1x8192xf32, #tpu.memory_space<vmem>>, vector<1x128xf32>
    %add3A_88 = vector.broadcast %get3A_87 : vector<1x128xf32> to vector<768x128xf32>
    %add3A_89 = arith.addf %slice3A_84, %add3A_88 : vector<768x128xf32>
    %lt3A = arith.cmpf olt, %add3A_89, %add3A_83 : vector<768x128xf32>
    %select_n3A = arith.select %lt3A, %add3A_89, %add3A_83 : vector<768x128xi1>, vector<768x128xf32>
    %select_n3A_90 = arith.select %lt3A, %add3A_28, %add3A_25 : vector<768x128xi1>, vector<768x128xf32>
    %slice3A_91 = vector.extract_strided_slice %dot_general3A_78 {offsets = [0, 256], sizes = [768, 128], strides = [1, 1]} : vector<768x2048xf32> to vector<768x128xf32>
    %get3A_92 = arith.constant 0 : index
    %get3A_93 = arith.constant 256 : index
    %get3A_94 = vector.load %arg7[%get3A_92, %get3A_93] : memref<1x8192xf32, #tpu.memory_space<vmem>>, vector<1x128xf32>
    %add3A_95 = vector.broadcast %get3A_94 : vector<1x128xf32> to vector<768x128xf32>
    %add3A_96 = arith.addf %slice3A_91, %add3A_95 : vector<768x128xf32>
    %lt3A_97 = arith.cmpf olt, %add3A_96, %select_n3A : vector<768x128xf32>
    %select_n3A_98 = arith.select %lt3A_97, %add3A_96, %select_n3A : vector<768x128xi1>, vector<768x128xf32>
    %select_n3A_99 = arith.select %lt3A_97, %add3A_31, %select_n3A_90 : vector<768x128xi1>, vector<768x128xf32>
    %slice3A_100 = vector.extract_strided_slice %dot_general3A_78 {offsets = [0, 384], sizes = [768, 128], strides = [1, 1]} : vector<768x2048xf32> to vector<768x128xf32>
    %get3A_101 = arith.constant 0 : index
    %get3A_102 = arith.constant 384 : index
    %get3A_103 = vector.load %arg7[%get3A_101, %get3A_102] : memref<1x8192xf32, #tpu.memory_space<vmem>>, vector<1x128xf32>
    %add3A_104 = vector.broadcast %get3A_103 : vector<1x128xf32> to vector<768x128xf32>
    %add3A_105 = arith.addf %slice3A_100, %add3A_104 : vector<768x128xf32>
    %lt3A_106 = arith.cmpf olt, %add3A_105, %select_n3A_98 : vector<768x128xf32>
    %select_n3A_107 = arith.select %lt3A_106, %add3A_105, %select_n3A_98 : vector<768x128xi1>, vector<768x128xf32>
    %select_n3A_108 = arith.select %lt3A_106, %add3A_34, %select_n3A_99 : vector<768x128xi1>, vector<768x128xf32>
    %slice3A_109 = vector.extract_strided_slice %dot_general3A_78 {offsets = [0, 512], sizes = [768, 128], strides = [1, 1]} : vector<768x2048xf32> to vector<768x128xf32>
    %get3A_110 = arith.constant 0 : index
    %get3A_111 = arith.constant 512 : index
    %get3A_112 = vector.load %arg7[%get3A_110, %get3A_111] : memref<1x8192xf32, #tpu.memory_space<vmem>>, vector<1x128xf32>
    %add3A_113 = vector.broadcast %get3A_112 : vector<1x128xf32> to vector<768x128xf32>
    %add3A_114 = arith.addf %slice3A_109, %add3A_113 : vector<768x128xf32>
    %lt3A_115 = arith.cmpf olt, %add3A_114, %select_n3A_107 : vector<768x128xf32>
    %select_n3A_116 = arith.select %lt3A_115, %add3A_114, %select_n3A_107 : vector<768x128xi1>, vector<768x128xf32>
    %select_n3A_117 = arith.select %lt3A_115, %add3A_37, %select_n3A_108 : vector<768x128xi1>, vector<768x128xf32>
    %slice3A_118 = vector.extract_strided_slice %dot_general3A_78 {offsets = [0, 640], sizes = [768, 128], strides = [1, 1]} : vector<768x2048xf32> to vector<768x128xf32>
    %get3A_119 = arith.constant 0 : index
    %get3A_120 = arith.constant 640 : index
    %get3A_121 = vector.load %arg7[%get3A_119, %get3A_120] : memref<1x8192xf32, #tpu.memory_space<vmem>>, vector<1x128xf32>
    %add3A_122 = vector.broadcast %get3A_121 : vector<1x128xf32> to vector<768x128xf32>
    %add3A_123 = arith.addf %slice3A_118, %add3A_122 : vector<768x128xf32>
    %lt3A_124 = arith.cmpf olt, %add3A_123, %select_n3A_116 : vector<768x128xf32>
    %select_n3A_125 = arith.select %lt3A_124, %add3A_123, %select_n3A_116 : vector<768x128xi1>, vector<768x128xf32>
    %select_n3A_126 = arith.select %lt3A_124, %add3A_40, %select_n3A_117 : vector<768x128xi1>, vector<768x128xf32>
    %slice3A_127 = vector.extract_strided_slice %dot_general3A_78 {offsets = [0, 768], sizes = [768, 128], strides = [1, 1]} : vector<768x2048xf32> to vector<768x128xf32>
    %get3A_128 = arith.constant 0 : index
    %get3A_129 = arith.constant 768 : index
    %get3A_130 = vector.load %arg7[%get3A_128, %get3A_129] : memref<1x8192xf32, #tpu.memory_space<vmem>>, vector<1x128xf32>
    %add3A_131 = vector.broadcast %get3A_130 : vector<1x128xf32> to vector<768x128xf32>
    %add3A_132 = arith.addf %slice3A_127, %add3A_131 : vector<768x128xf32>
    %lt3A_133 = arith.cmpf olt, %add3A_132, %select_n3A_125 : vector<768x128xf32>
    %select_n3A_134 = arith.select %lt3A_133, %add3A_132, %select_n3A_125 : vector<768x128xi1>, vector<768x128xf32>
    %select_n3A_135 = arith.select %lt3A_133, %add3A_43, %select_n3A_126 : vector<768x128xi1>, vector<768x128xf32>
    %slice3A_136 = vector.extract_strided_slice %dot_general3A_78 {offsets = [0, 896], sizes = [768, 128], strides = [1, 1]} : vector<768x2048xf32> to vector<768x128xf32>
    %get3A_137 = arith.constant 0 : index
    %get3A_138 = arith.constant 896 : index
    %get3A_139 = vector.load %arg7[%get3A_137, %get3A_138] : memref<1x8192xf32, #tpu.memory_space<vmem>>, vector<1x128xf32>
    %add3A_140 = vector.broadcast %get3A_139 : vector<1x128xf32> to vector<768x128xf32>
    %add3A_141 = arith.addf %slice3A_136, %add3A_140 : vector<768x128xf32>
    %lt3A_142 = arith.cmpf olt, %add3A_141, %select_n3A_134 : vector<768x128xf32>
    %select_n3A_143 = arith.select %lt3A_142, %add3A_141, %select_n3A_134 : vector<768x128xi1>, vector<768x128xf32>
    %select_n3A_144 = arith.select %lt3A_142, %add3A_46, %select_n3A_135 : vector<768x128xi1>, vector<768x128xf32>
    %slice3A_145 = vector.extract_strided_slice %dot_general3A_78 {offsets = [0, 1024], sizes = [768, 128], strides = [1, 1]} : vector<768x2048xf32> to vector<768x128xf32>
    %get3A_146 = arith.constant 0 : index
    %get3A_147 = arith.constant 1024 : index
    %get3A_148 = vector.load %arg7[%get3A_146, %get3A_147] : memref<1x8192xf32, #tpu.memory_space<vmem>>, vector<1x128xf32>
    %add3A_149 = vector.broadcast %get3A_148 : vector<1x128xf32> to vector<768x128xf32>
    %add3A_150 = arith.addf %slice3A_145, %add3A_149 : vector<768x128xf32>
    %lt3A_151 = arith.cmpf olt, %add3A_150, %select_n3A_143 : vector<768x128xf32>
    %select_n3A_152 = arith.select %lt3A_151, %add3A_150, %select_n3A_143 : vector<768x128xi1>, vector<768x128xf32>
    %select_n3A_153 = arith.select %lt3A_151, %add3A_49, %select_n3A_144 : vector<768x128xi1>, vector<768x128xf32>
    %slice3A_154 = vector.extract_strided_slice %dot_general3A_78 {offsets = [0, 1152], sizes = [768, 128], strides = [1, 1]} : vector<768x2048xf32> to vector<768x128xf32>
    %get3A_155 = arith.constant 0 : index
    %get3A_156 = arith.constant 1152 : index
    %get3A_157 = vector.load %arg7[%get3A_155, %get3A_156] : memref<1x8192xf32, #tpu.memory_space<vmem>>, vector<1x128xf32>
    %add3A_158 = vector.broadcast %get3A_157 : vector<1x128xf32> to vector<768x128xf32>
    %add3A_159 = arith.addf %slice3A_154, %add3A_158 : vector<768x128xf32>
    %lt3A_160 = arith.cmpf olt, %add3A_159, %select_n3A_152 : vector<768x128xf32>
    %select_n3A_161 = arith.select %lt3A_160, %add3A_159, %select_n3A_152 : vector<768x128xi1>, vector<768x128xf32>
    %select_n3A_162 = arith.select %lt3A_160, %add3A_52, %select_n3A_153 : vector<768x128xi1>, vector<768x128xf32>
    %slice3A_163 = vector.extract_strided_slice %dot_general3A_78 {offsets = [0, 1280], sizes = [768, 128], strides = [1, 1]} : vector<768x2048xf32> to vector<768x128xf32>
    %get3A_164 = arith.constant 0 : index
    %get3A_165 = arith.constant 1280 : index
    %get3A_166 = vector.load %arg7[%get3A_164, %get3A_165] : memref<1x8192xf32, #tpu.memory_space<vmem>>, vector<1x128xf32>
    %add3A_167 = vector.broadcast %get3A_166 : vector<1x128xf32> to vector<768x128xf32>
    %add3A_168 = arith.addf %slice3A_163, %add3A_167 : vector<768x128xf32>
    %lt3A_169 = arith.cmpf olt, %add3A_168, %select_n3A_161 : vector<768x128xf32>
    %select_n3A_170 = arith.select %lt3A_169, %add3A_168, %select_n3A_161 : vector<768x128xi1>, vector<768x128xf32>
    %select_n3A_171 = arith.select %lt3A_169, %add3A_55, %select_n3A_162 : vector<768x128xi1>, vector<768x128xf32>
    %slice3A_172 = vector.extract_strided_slice %dot_general3A_78 {offsets = [0, 1408], sizes = [768, 128], strides = [1, 1]} : vector<768x2048xf32> to vector<768x128xf32>
    %get3A_173 = arith.constant 0 : index
    %get3A_174 = arith.constant 1408 : index
    %get3A_175 = vector.load %arg7[%get3A_173, %get3A_174] : memref<1x8192xf32, #tpu.memory_space<vmem>>, vector<1x128xf32>
    %add3A_176 = vector.broadcast %get3A_175 : vector<1x128xf32> to vector<768x128xf32>
    %add3A_177 = arith.addf %slice3A_172, %add3A_176 : vector<768x128xf32>
    %lt3A_178 = arith.cmpf olt, %add3A_177, %select_n3A_170 : vector<768x128xf32>
    %select_n3A_179 = arith.select %lt3A_178, %add3A_177, %select_n3A_170 : vector<768x128xi1>, vector<768x128xf32>
    %select_n3A_180 = arith.select %lt3A_178, %add3A_58, %select_n3A_171 : vector<768x128xi1>, vector<768x128xf32>
    %slice3A_181 = vector.extract_strided_slice %dot_general3A_78 {offsets = [0, 1536], sizes = [768, 128], strides = [1, 1]} : vector<768x2048xf32> to vector<768x128xf32>
    %get3A_182 = arith.constant 0 : index
    %get3A_183 = arith.constant 1536 : index
    %get3A_184 = vector.load %arg7[%get3A_182, %get3A_183] : memref<1x8192xf32, #tpu.memory_space<vmem>>, vector<1x128xf32>
    %add3A_185 = vector.broadcast %get3A_184 : vector<1x128xf32> to vector<768x128xf32>
    %add3A_186 = arith.addf %slice3A_181, %add3A_185 : vector<768x128xf32>
    %lt3A_187 = arith.cmpf olt, %add3A_186, %select_n3A_179 : vector<768x128xf32>
    %select_n3A_188 = arith.select %lt3A_187, %add3A_186, %select_n3A_179 : vector<768x128xi1>, vector<768x128xf32>
    %select_n3A_189 = arith.select %lt3A_187, %add3A_61, %select_n3A_180 : vector<768x128xi1>, vector<768x128xf32>
    %slice3A_190 = vector.extract_strided_slice %dot_general3A_78 {offsets = [0, 1664], sizes = [768, 128], strides = [1, 1]} : vector<768x2048xf32> to vector<768x128xf32>
    %get3A_191 = arith.constant 0 : index
    %get3A_192 = arith.constant 1664 : index
    %get3A_193 = vector.load %arg7[%get3A_191, %get3A_192] : memref<1x8192xf32, #tpu.memory_space<vmem>>, vector<1x128xf32>
    %add3A_194 = vector.broadcast %get3A_193 : vector<1x128xf32> to vector<768x128xf32>
    %add3A_195 = arith.addf %slice3A_190, %add3A_194 : vector<768x128xf32>
    %lt3A_196 = arith.cmpf olt, %add3A_195, %select_n3A_188 : vector<768x128xf32>
    %select_n3A_197 = arith.select %lt3A_196, %add3A_195, %select_n3A_188 : vector<768x128xi1>, vector<768x128xf32>
    %select_n3A_198 = arith.select %lt3A_196, %add3A_64, %select_n3A_189 : vector<768x128xi1>, vector<768x128xf32>
    %slice3A_199 = vector.extract_strided_slice %dot_general3A_78 {offsets = [0, 1792], sizes = [768, 128], strides = [1, 1]} : vector<768x2048xf32> to vector<768x128xf32>
    %get3A_200 = arith.constant 0 : index
    %get3A_201 = arith.constant 1792 : index
    %get3A_202 = vector.load %arg7[%get3A_200, %get3A_201] : memref<1x8192xf32, #tpu.memory_space<vmem>>, vector<1x128xf32>
    %add3A_203 = vector.broadcast %get3A_202 : vector<1x128xf32> to vector<768x128xf32>
    %add3A_204 = arith.addf %slice3A_199, %add3A_203 : vector<768x128xf32>
    %lt3A_205 = arith.cmpf olt, %add3A_204, %select_n3A_197 : vector<768x128xf32>
    %select_n3A_206 = arith.select %lt3A_205, %add3A_204, %select_n3A_197 : vector<768x128xi1>, vector<768x128xf32>
    %select_n3A_207 = arith.select %lt3A_205, %add3A_67, %select_n3A_198 : vector<768x128xi1>, vector<768x128xf32>
    %slice3A_208 = vector.extract_strided_slice %dot_general3A_78 {offsets = [0, 1920], sizes = [768, 128], strides = [1, 1]} : vector<768x2048xf32> to vector<768x128xf32>
    %get3A_209 = arith.constant 0 : index
    %get3A_210 = arith.constant 1920 : index
    %get3A_211 = vector.load %arg7[%get3A_209, %get3A_210] : memref<1x8192xf32, #tpu.memory_space<vmem>>, vector<1x128xf32>
    %add3A_212 = vector.broadcast %get3A_211 : vector<1x128xf32> to vector<768x128xf32>
    %add3A_213 = arith.addf %slice3A_208, %add3A_212 : vector<768x128xf32>
    %lt3A_214 = arith.cmpf olt, %add3A_213, %select_n3A_206 : vector<768x128xf32>
    %select_n3A_215 = arith.select %lt3A_214, %add3A_213, %select_n3A_206 : vector<768x128xi1>, vector<768x128xf32>
    %select_n3A_216 = arith.select %lt3A_214, %add3A_70, %select_n3A_207 : vector<768x128xi1>, vector<768x128xf32>
    %reduce_min3A = arith.constant dense<0x7F800000> : vector<768xf32>
    %reduce_min3A_217 = vector.multi_reduction <minimumf>, %select_n3A_215, %reduce_min3A [1] : vector<768x128xf32> to vector<768xf32>
    %broadcast_in_dim3A_218 = vector.shape_cast %reduce_min3A_217 : vector<768xf32> to vector<768x1xf32>
    %eq3A = vector.broadcast %broadcast_in_dim3A_218 : vector<768x1xf32> to vector<768x128xf32>
    %eq3A_219 = arith.cmpf oeq, %select_n3A_215, %eq3A : vector<768x128xf32>
    %jit3A = arith.constant 1.000000e+09 : f32
    %broadcast_in_dim3A_220 = vector.broadcast %jit3A : f32 to vector<768x128xf32>
    %select_n3A_221 = arith.select %eq3A_219, %select_n3A_216, %broadcast_in_dim3A_220 : vector<768x128xi1>, vector<768x128xf32>
    %reduce_min3A_222 = arith.constant dense<0x7F800000> : vector<768xf32>
    %reduce_min3A_223 = vector.multi_reduction <minimumf>, %select_n3A_221, %reduce_min3A_222 [1] : vector<768x128xf32> to vector<768xf32>
    %broadcast_in_dim3A_224 = vector.shape_cast %reduce_min3A_223 : vector<768xf32> to vector<768x1xf32>
    %add3A_225 = arith.constant 0.000000e+00 : f32
    %add3A_226 = vector.broadcast %add3A_225 : f32 to vector<768x1xf32>
    %add3A_227 = arith.addf %broadcast_in_dim3A_224, %add3A_226 : vector<768x1xf32>
    %lt3A_228 = arith.cmpf olt, %broadcast_in_dim3A_218, %broadcast_in_dim3A_71 : vector<768x1xf32>
    %select_n3A_229 = arith.select %lt3A_228, %broadcast_in_dim3A_218, %broadcast_in_dim3A_71 : vector<768x1xi1>, vector<768x1xf32>
    %select_n3A_230 = arith.select %lt3A_228, %add3A_227, %broadcast_in_dim3A_73 : vector<768x1xi1>, vector<768x1xf32>
    %get3A_231 = arith.constant 2048 : index
    %get3A_232 = arith.constant 0 : index
    %get3A_233 = vector.load %arg6[%get3A_231, %get3A_232] : memref<8192x64xf32, #tpu.memory_space<vmem>>, vector<2048x64xf32>
    %dot_general3A_234 = arith.constant dense<0.000000e+00> : vector<768x2048xf32>
    %dot_general3A_235 = tpu.matmul %mul3A_22, %get3A_233, %dot_general3A_234 {dimension_numbers = #tpu.dot_dimension_numbers<[1], [1], [0], [0], [0, 0, 1, 0], [], []>, transpose_lhs_hint = false} : vector<768x64xf32>, vector<2048x64xf32>, vector<768x2048xf32> -> vector<768x2048xf32>
    %slice3A_236 = vector.extract_strided_slice %dot_general3A_235 {offsets = [0, 0], sizes = [768, 128], strides = [1, 1]} : vector<768x2048xf32> to vector<768x128xf32>
    %get3A_237 = arith.constant 0 : index
    %get3A_238 = arith.constant 2048 : index
    %get3A_239 = vector.load %arg7[%get3A_237, %get3A_238] : memref<1x8192xf32, #tpu.memory_space<vmem>>, vector<1x128xf32>
    %add3A_240 = vector.broadcast %get3A_239 : vector<1x128xf32> to vector<768x128xf32>
    %add3A_241 = arith.addf %slice3A_236, %add3A_240 : vector<768x128xf32>
    %slice3A_242 = vector.extract_strided_slice %dot_general3A_235 {offsets = [0, 128], sizes = [768, 128], strides = [1, 1]} : vector<768x2048xf32> to vector<768x128xf32>
    %get3A_243 = arith.constant 0 : index
    %get3A_244 = arith.constant 2176 : index
    %get3A_245 = vector.load %arg7[%get3A_243, %get3A_244] : memref<1x8192xf32, #tpu.memory_space<vmem>>, vector<1x128xf32>
    %add3A_246 = vector.broadcast %get3A_245 : vector<1x128xf32> to vector<768x128xf32>
    %add3A_247 = arith.addf %slice3A_242, %add3A_246 : vector<768x128xf32>
    %lt3A_248 = arith.cmpf olt, %add3A_247, %add3A_241 : vector<768x128xf32>
    %select_n3A_249 = arith.select %lt3A_248, %add3A_247, %add3A_241 : vector<768x128xi1>, vector<768x128xf32>
    %select_n3A_250 = arith.select %lt3A_248, %add3A_28, %add3A_25 : vector<768x128xi1>, vector<768x128xf32>
    %slice3A_251 = vector.extract_strided_slice %dot_general3A_235 {offsets = [0, 256], sizes = [768, 128], strides = [1, 1]} : vector<768x2048xf32> to vector<768x128xf32>
    %get3A_252 = arith.constant 0 : index
    %get3A_253 = arith.constant 2304 : index
    %get3A_254 = vector.load %arg7[%get3A_252, %get3A_253] : memref<1x8192xf32, #tpu.memory_space<vmem>>, vector<1x128xf32>
    %add3A_255 = vector.broadcast %get3A_254 : vector<1x128xf32> to vector<768x128xf32>
    %add3A_256 = arith.addf %slice3A_251, %add3A_255 : vector<768x128xf32>
    %lt3A_257 = arith.cmpf olt, %add3A_256, %select_n3A_249 : vector<768x128xf32>
    %select_n3A_258 = arith.select %lt3A_257, %add3A_256, %select_n3A_249 : vector<768x128xi1>, vector<768x128xf32>
    %select_n3A_259 = arith.select %lt3A_257, %add3A_31, %select_n3A_250 : vector<768x128xi1>, vector<768x128xf32>
    %slice3A_260 = vector.extract_strided_slice %dot_general3A_235 {offsets = [0, 384], sizes = [768, 128], strides = [1, 1]} : vector<768x2048xf32> to vector<768x128xf32>
    %get3A_261 = arith.constant 0 : index
    %get3A_262 = arith.constant 2432 : index
    %get3A_263 = vector.load %arg7[%get3A_261, %get3A_262] : memref<1x8192xf32, #tpu.memory_space<vmem>>, vector<1x128xf32>
    %add3A_264 = vector.broadcast %get3A_263 : vector<1x128xf32> to vector<768x128xf32>
    %add3A_265 = arith.addf %slice3A_260, %add3A_264 : vector<768x128xf32>
    %lt3A_266 = arith.cmpf olt, %add3A_265, %select_n3A_258 : vector<768x128xf32>
    %select_n3A_267 = arith.select %lt3A_266, %add3A_265, %select_n3A_258 : vector<768x128xi1>, vector<768x128xf32>
    %select_n3A_268 = arith.select %lt3A_266, %add3A_34, %select_n3A_259 : vector<768x128xi1>, vector<768x128xf32>
    %slice3A_269 = vector.extract_strided_slice %dot_general3A_235 {offsets = [0, 512], sizes = [768, 128], strides = [1, 1]} : vector<768x2048xf32> to vector<768x128xf32>
    %get3A_270 = arith.constant 0 : index
    %get3A_271 = arith.constant 2560 : index
    %get3A_272 = vector.load %arg7[%get3A_270, %get3A_271] : memref<1x8192xf32, #tpu.memory_space<vmem>>, vector<1x128xf32>
    %add3A_273 = vector.broadcast %get3A_272 : vector<1x128xf32> to vector<768x128xf32>
    %add3A_274 = arith.addf %slice3A_269, %add3A_273 : vector<768x128xf32>
    %lt3A_275 = arith.cmpf olt, %add3A_274, %select_n3A_267 : vector<768x128xf32>
    %select_n3A_276 = arith.select %lt3A_275, %add3A_274, %select_n3A_267 : vector<768x128xi1>, vector<768x128xf32>
    %select_n3A_277 = arith.select %lt3A_275, %add3A_37, %select_n3A_268 : vector<768x128xi1>, vector<768x128xf32>
    %slice3A_278 = vector.extract_strided_slice %dot_general3A_235 {offsets = [0, 640], sizes = [768, 128], strides = [1, 1]} : vector<768x2048xf32> to vector<768x128xf32>
    %get3A_279 = arith.constant 0 : index
    %get3A_280 = arith.constant 2688 : index
    %get3A_281 = vector.load %arg7[%get3A_279, %get3A_280] : memref<1x8192xf32, #tpu.memory_space<vmem>>, vector<1x128xf32>
    %add3A_282 = vector.broadcast %get3A_281 : vector<1x128xf32> to vector<768x128xf32>
    %add3A_283 = arith.addf %slice3A_278, %add3A_282 : vector<768x128xf32>
    %lt3A_284 = arith.cmpf olt, %add3A_283, %select_n3A_276 : vector<768x128xf32>
    %select_n3A_285 = arith.select %lt3A_284, %add3A_283, %select_n3A_276 : vector<768x128xi1>, vector<768x128xf32>
    %select_n3A_286 = arith.select %lt3A_284, %add3A_40, %select_n3A_277 : vector<768x128xi1>, vector<768x128xf32>
    %slice3A_287 = vector.extract_strided_slice %dot_general3A_235 {offsets = [0, 768], sizes = [768, 128], strides = [1, 1]} : vector<768x2048xf32> to vector<768x128xf32>
    %get3A_288 = arith.constant 0 : index
    %get3A_289 = arith.constant 2816 : index
    %get3A_290 = vector.load %arg7[%get3A_288, %get3A_289] : memref<1x8192xf32, #tpu.memory_space<vmem>>, vector<1x128xf32>
    %add3A_291 = vector.broadcast %get3A_290 : vector<1x128xf32> to vector<768x128xf32>
    %add3A_292 = arith.addf %slice3A_287, %add3A_291 : vector<768x128xf32>
    %lt3A_293 = arith.cmpf olt, %add3A_292, %select_n3A_285 : vector<768x128xf32>
    %select_n3A_294 = arith.select %lt3A_293, %add3A_292, %select_n3A_285 : vector<768x128xi1>, vector<768x128xf32>
    %select_n3A_295 = arith.select %lt3A_293, %add3A_43, %select_n3A_286 : vector<768x128xi1>, vector<768x128xf32>
    %slice3A_296 = vector.extract_strided_slice %dot_general3A_235 {offsets = [0, 896], sizes = [768, 128], strides = [1, 1]} : vector<768x2048xf32> to vector<768x128xf32>
    %get3A_297 = arith.constant 0 : index
    %get3A_298 = arith.constant 2944 : index
    %get3A_299 = vector.load %arg7[%get3A_297, %get3A_298] : memref<1x8192xf32, #tpu.memory_space<vmem>>, vector<1x128xf32>
    %add3A_300 = vector.broadcast %get3A_299 : vector<1x128xf32> to vector<768x128xf32>
    %add3A_301 = arith.addf %slice3A_296, %add3A_300 : vector<768x128xf32>
    %lt3A_302 = arith.cmpf olt, %add3A_301, %select_n3A_294 : vector<768x128xf32>
    %select_n3A_303 = arith.select %lt3A_302, %add3A_301, %select_n3A_294 : vector<768x128xi1>, vector<768x128xf32>
    %select_n3A_304 = arith.select %lt3A_302, %add3A_46, %select_n3A_295 : vector<768x128xi1>, vector<768x128xf32>
    %slice3A_305 = vector.extract_strided_slice %dot_general3A_235 {offsets = [0, 1024], sizes = [768, 128], strides = [1, 1]} : vector<768x2048xf32> to vector<768x128xf32>
    %get3A_306 = arith.constant 0 : index
    %get3A_307 = arith.constant 3072 : index
    %get3A_308 = vector.load %arg7[%get3A_306, %get3A_307] : memref<1x8192xf32, #tpu.memory_space<vmem>>, vector<1x128xf32>
    %add3A_309 = vector.broadcast %get3A_308 : vector<1x128xf32> to vector<768x128xf32>
    %add3A_310 = arith.addf %slice3A_305, %add3A_309 : vector<768x128xf32>
    %lt3A_311 = arith.cmpf olt, %add3A_310, %select_n3A_303 : vector<768x128xf32>
    %select_n3A_312 = arith.select %lt3A_311, %add3A_310, %select_n3A_303 : vector<768x128xi1>, vector<768x128xf32>
    %select_n3A_313 = arith.select %lt3A_311, %add3A_49, %select_n3A_304 : vector<768x128xi1>, vector<768x128xf32>
    %slice3A_314 = vector.extract_strided_slice %dot_general3A_235 {offsets = [0, 1152], sizes = [768, 128], strides = [1, 1]} : vector<768x2048xf32> to vector<768x128xf32>
    %get3A_315 = arith.constant 0 : index
    %get3A_316 = arith.constant 3200 : index
    %get3A_317 = vector.load %arg7[%get3A_315, %get3A_316] : memref<1x8192xf32, #tpu.memory_space<vmem>>, vector<1x128xf32>
    %add3A_318 = vector.broadcast %get3A_317 : vector<1x128xf32> to vector<768x128xf32>
    %add3A_319 = arith.addf %slice3A_314, %add3A_318 : vector<768x128xf32>
    %lt3A_320 = arith.cmpf olt, %add3A_319, %select_n3A_312 : vector<768x128xf32>
    %select_n3A_321 = arith.select %lt3A_320, %add3A_319, %select_n3A_312 : vector<768x128xi1>, vector<768x128xf32>
    %select_n3A_322 = arith.select %lt3A_320, %add3A_52, %select_n3A_313 : vector<768x128xi1>, vector<768x128xf32>
    %slice3A_323 = vector.extract_strided_slice %dot_general3A_235 {offsets = [0, 1280], sizes = [768, 128], strides = [1, 1]} : vector<768x2048xf32> to vector<768x128xf32>
    %get3A_324 = arith.constant 0 : index
    %get3A_325 = arith.constant 3328 : index
    %get3A_326 = vector.load %arg7[%get3A_324, %get3A_325] : memref<1x8192xf32, #tpu.memory_space<vmem>>, vector<1x128xf32>
    %add3A_327 = vector.broadcast %get3A_326 : vector<1x128xf32> to vector<768x128xf32>
    %add3A_328 = arith.addf %slice3A_323, %add3A_327 : vector<768x128xf32>
    %lt3A_329 = arith.cmpf olt, %add3A_328, %select_n3A_321 : vector<768x128xf32>
    %select_n3A_330 = arith.select %lt3A_329, %add3A_328, %select_n3A_321 : vector<768x128xi1>, vector<768x128xf32>
    %select_n3A_331 = arith.select %lt3A_329, %add3A_55, %select_n3A_322 : vector<768x128xi1>, vector<768x128xf32>
    %slice3A_332 = vector.extract_strided_slice %dot_general3A_235 {offsets = [0, 1408], sizes = [768, 128], strides = [1, 1]} : vector<768x2048xf32> to vector<768x128xf32>
    %get3A_333 = arith.constant 0 : index
    %get3A_334 = arith.constant 3456 : index
    %get3A_335 = vector.load %arg7[%get3A_333, %get3A_334] : memref<1x8192xf32, #tpu.memory_space<vmem>>, vector<1x128xf32>
    %add3A_336 = vector.broadcast %get3A_335 : vector<1x128xf32> to vector<768x128xf32>
    %add3A_337 = arith.addf %slice3A_332, %add3A_336 : vector<768x128xf32>
    %lt3A_338 = arith.cmpf olt, %add3A_337, %select_n3A_330 : vector<768x128xf32>
    %select_n3A_339 = arith.select %lt3A_338, %add3A_337, %select_n3A_330 : vector<768x128xi1>, vector<768x128xf32>
    %select_n3A_340 = arith.select %lt3A_338, %add3A_58, %select_n3A_331 : vector<768x128xi1>, vector<768x128xf32>
    %slice3A_341 = vector.extract_strided_slice %dot_general3A_235 {offsets = [0, 1536], sizes = [768, 128], strides = [1, 1]} : vector<768x2048xf32> to vector<768x128xf32>
    %get3A_342 = arith.constant 0 : index
    %get3A_343 = arith.constant 3584 : index
    %get3A_344 = vector.load %arg7[%get3A_342, %get3A_343] : memref<1x8192xf32, #tpu.memory_space<vmem>>, vector<1x128xf32>
    %add3A_345 = vector.broadcast %get3A_344 : vector<1x128xf32> to vector<768x128xf32>
    %add3A_346 = arith.addf %slice3A_341, %add3A_345 : vector<768x128xf32>
    %lt3A_347 = arith.cmpf olt, %add3A_346, %select_n3A_339 : vector<768x128xf32>
    %select_n3A_348 = arith.select %lt3A_347, %add3A_346, %select_n3A_339 : vector<768x128xi1>, vector<768x128xf32>
    %select_n3A_349 = arith.select %lt3A_347, %add3A_61, %select_n3A_340 : vector<768x128xi1>, vector<768x128xf32>
    %slice3A_350 = vector.extract_strided_slice %dot_general3A_235 {offsets = [0, 1664], sizes = [768, 128], strides = [1, 1]} : vector<768x2048xf32> to vector<768x128xf32>
    %get3A_351 = arith.constant 0 : index
    %get3A_352 = arith.constant 3712 : index
    %get3A_353 = vector.load %arg7[%get3A_351, %get3A_352] : memref<1x8192xf32, #tpu.memory_space<vmem>>, vector<1x128xf32>
    %add3A_354 = vector.broadcast %get3A_353 : vector<1x128xf32> to vector<768x128xf32>
    %add3A_355 = arith.addf %slice3A_350, %add3A_354 : vector<768x128xf32>
    %lt3A_356 = arith.cmpf olt, %add3A_355, %select_n3A_348 : vector<768x128xf32>
    %select_n3A_357 = arith.select %lt3A_356, %add3A_355, %select_n3A_348 : vector<768x128xi1>, vector<768x128xf32>
    %select_n3A_358 = arith.select %lt3A_356, %add3A_64, %select_n3A_349 : vector<768x128xi1>, vector<768x128xf32>
    %slice3A_359 = vector.extract_strided_slice %dot_general3A_235 {offsets = [0, 1792], sizes = [768, 128], strides = [1, 1]} : vector<768x2048xf32> to vector<768x128xf32>
    %get3A_360 = arith.constant 0 : index
    %get3A_361 = arith.constant 3840 : index
    %get3A_362 = vector.load %arg7[%get3A_360, %get3A_361] : memref<1x8192xf32, #tpu.memory_space<vmem>>, vector<1x128xf32>
    %add3A_363 = vector.broadcast %get3A_362 : vector<1x128xf32> to vector<768x128xf32>
    %add3A_364 = arith.addf %slice3A_359, %add3A_363 : vector<768x128xf32>
    %lt3A_365 = arith.cmpf olt, %add3A_364, %select_n3A_357 : vector<768x128xf32>
    %select_n3A_366 = arith.select %lt3A_365, %add3A_364, %select_n3A_357 : vector<768x128xi1>, vector<768x128xf32>
    %select_n3A_367 = arith.select %lt3A_365, %add3A_67, %select_n3A_358 : vector<768x128xi1>, vector<768x128xf32>
    %slice3A_368 = vector.extract_strided_slice %dot_general3A_235 {offsets = [0, 1920], sizes = [768, 128], strides = [1, 1]} : vector<768x2048xf32> to vector<768x128xf32>
    %get3A_369 = arith.constant 0 : index
    %get3A_370 = arith.constant 3968 : index
    %get3A_371 = vector.load %arg7[%get3A_369, %get3A_370] : memref<1x8192xf32, #tpu.memory_space<vmem>>, vector<1x128xf32>
    %add3A_372 = vector.broadcast %get3A_371 : vector<1x128xf32> to vector<768x128xf32>
    %add3A_373 = arith.addf %slice3A_368, %add3A_372 : vector<768x128xf32>
    %lt3A_374 = arith.cmpf olt, %add3A_373, %select_n3A_366 : vector<768x128xf32>
    %select_n3A_375 = arith.select %lt3A_374, %add3A_373, %select_n3A_366 : vector<768x128xi1>, vector<768x128xf32>
    %select_n3A_376 = arith.select %lt3A_374, %add3A_70, %select_n3A_367 : vector<768x128xi1>, vector<768x128xf32>
    %reduce_min3A_377 = arith.constant dense<0x7F800000> : vector<768xf32>
    %reduce_min3A_378 = vector.multi_reduction <minimumf>, %select_n3A_375, %reduce_min3A_377 [1] : vector<768x128xf32> to vector<768xf32>
    %broadcast_in_dim3A_379 = vector.shape_cast %reduce_min3A_378 : vector<768xf32> to vector<768x1xf32>
    %eq3A_380 = vector.broadcast %broadcast_in_dim3A_379 : vector<768x1xf32> to vector<768x128xf32>
    %eq3A_381 = arith.cmpf oeq, %select_n3A_375, %eq3A_380 : vector<768x128xf32>
    %jit3A_382 = arith.constant 1.000000e+09 : f32
    %broadcast_in_dim3A_383 = vector.broadcast %jit3A_382 : f32 to vector<768x128xf32>
    %select_n3A_384 = arith.select %eq3A_381, %select_n3A_376, %broadcast_in_dim3A_383 : vector<768x128xi1>, vector<768x128xf32>
    %reduce_min3A_385 = arith.constant dense<0x7F800000> : vector<768xf32>
    %reduce_min3A_386 = vector.multi_reduction <minimumf>, %select_n3A_384, %reduce_min3A_385 [1] : vector<768x128xf32> to vector<768xf32>
    %broadcast_in_dim3A_387 = vector.shape_cast %reduce_min3A_386 : vector<768xf32> to vector<768x1xf32>
    %add3A_388 = arith.constant 2.048000e+03 : f32
    %add3A_389 = vector.broadcast %add3A_388 : f32 to vector<768x1xf32>
    %add3A_390 = arith.addf %broadcast_in_dim3A_387, %add3A_389 : vector<768x1xf32>
    %lt3A_391 = arith.cmpf olt, %broadcast_in_dim3A_379, %select_n3A_229 : vector<768x1xf32>
    %select_n3A_392 = arith.select %lt3A_391, %broadcast_in_dim3A_379, %select_n3A_229 : vector<768x1xi1>, vector<768x1xf32>
    %select_n3A_393 = arith.select %lt3A_391, %add3A_390, %select_n3A_230 : vector<768x1xi1>, vector<768x1xf32>
    %get3A_394 = arith.constant 4096 : index
    %get3A_395 = arith.constant 0 : index
    %get3A_396 = vector.load %arg6[%get3A_394, %get3A_395] : memref<8192x64xf32, #tpu.memory_space<vmem>>, vector<2048x64xf32>
    %dot_general3A_397 = arith.constant dense<0.000000e+00> : vector<768x2048xf32>
    %dot_general3A_398 = tpu.matmul %mul3A_22, %get3A_396, %dot_general3A_397 {dimension_numbers = #tpu.dot_dimension_numbers<[1], [1], [0], [0], [0, 0, 1, 0], [], []>, transpose_lhs_hint = false} : vector<768x64xf32>, vector<2048x64xf32>, vector<768x2048xf32> -> vector<768x2048xf32>
    %slice3A_399 = vector.extract_strided_slice %dot_general3A_398 {offsets = [0, 0], sizes = [768, 128], strides = [1, 1]} : vector<768x2048xf32> to vector<768x128xf32>
    %get3A_400 = arith.constant 0 : index
    %get3A_401 = arith.constant 4096 : index
    %get3A_402 = vector.load %arg7[%get3A_400, %get3A_401] : memref<1x8192xf32, #tpu.memory_space<vmem>>, vector<1x128xf32>
    %add3A_403 = vector.broadcast %get3A_402 : vector<1x128xf32> to vector<768x128xf32>
    %add3A_404 = arith.addf %slice3A_399, %add3A_403 : vector<768x128xf32>
    %slice3A_405 = vector.extract_strided_slice %dot_general3A_398 {offsets = [0, 128], sizes = [768, 128], strides = [1, 1]} : vector<768x2048xf32> to vector<768x128xf32>
    %get3A_406 = arith.constant 0 : index
    %get3A_407 = arith.constant 4224 : index
    %get3A_408 = vector.load %arg7[%get3A_406, %get3A_407] : memref<1x8192xf32, #tpu.memory_space<vmem>>, vector<1x128xf32>
    %add3A_409 = vector.broadcast %get3A_408 : vector<1x128xf32> to vector<768x128xf32>
    %add3A_410 = arith.addf %slice3A_405, %add3A_409 : vector<768x128xf32>
    %lt3A_411 = arith.cmpf olt, %add3A_410, %add3A_404 : vector<768x128xf32>
    %select_n3A_412 = arith.select %lt3A_411, %add3A_410, %add3A_404 : vector<768x128xi1>, vector<768x128xf32>
    %select_n3A_413 = arith.select %lt3A_411, %add3A_28, %add3A_25 : vector<768x128xi1>, vector<768x128xf32>
    %slice3A_414 = vector.extract_strided_slice %dot_general3A_398 {offsets = [0, 256], sizes = [768, 128], strides = [1, 1]} : vector<768x2048xf32> to vector<768x128xf32>
    %get3A_415 = arith.constant 0 : index
    %get3A_416 = arith.constant 4352 : index
    %get3A_417 = vector.load %arg7[%get3A_415, %get3A_416] : memref<1x8192xf32, #tpu.memory_space<vmem>>, vector<1x128xf32>
    %add3A_418 = vector.broadcast %get3A_417 : vector<1x128xf32> to vector<768x128xf32>
    %add3A_419 = arith.addf %slice3A_414, %add3A_418 : vector<768x128xf32>
    %lt3A_420 = arith.cmpf olt, %add3A_419, %select_n3A_412 : vector<768x128xf32>
    %select_n3A_421 = arith.select %lt3A_420, %add3A_419, %select_n3A_412 : vector<768x128xi1>, vector<768x128xf32>
    %select_n3A_422 = arith.select %lt3A_420, %add3A_31, %select_n3A_413 : vector<768x128xi1>, vector<768x128xf32>
    %slice3A_423 = vector.extract_strided_slice %dot_general3A_398 {offsets = [0, 384], sizes = [768, 128], strides = [1, 1]} : vector<768x2048xf32> to vector<768x128xf32>
    %get3A_424 = arith.constant 0 : index
    %get3A_425 = arith.constant 4480 : index
    %get3A_426 = vector.load %arg7[%get3A_424, %get3A_425] : memref<1x8192xf32, #tpu.memory_space<vmem>>, vector<1x128xf32>
    %add3A_427 = vector.broadcast %get3A_426 : vector<1x128xf32> to vector<768x128xf32>
    %add3A_428 = arith.addf %slice3A_423, %add3A_427 : vector<768x128xf32>
    %lt3A_429 = arith.cmpf olt, %add3A_428, %select_n3A_421 : vector<768x128xf32>
    %select_n3A_430 = arith.select %lt3A_429, %add3A_428, %select_n3A_421 : vector<768x128xi1>, vector<768x128xf32>
    %select_n3A_431 = arith.select %lt3A_429, %add3A_34, %select_n3A_422 : vector<768x128xi1>, vector<768x128xf32>
    %slice3A_432 = vector.extract_strided_slice %dot_general3A_398 {offsets = [0, 512], sizes = [768, 128], strides = [1, 1]} : vector<768x2048xf32> to vector<768x128xf32>
    %get3A_433 = arith.constant 0 : index
    %get3A_434 = arith.constant 4608 : index
    %get3A_435 = vector.load %arg7[%get3A_433, %get3A_434] : memref<1x8192xf32, #tpu.memory_space<vmem>>, vector<1x128xf32>
    %add3A_436 = vector.broadcast %get3A_435 : vector<1x128xf32> to vector<768x128xf32>
    %add3A_437 = arith.addf %slice3A_432, %add3A_436 : vector<768x128xf32>
    %lt3A_438 = arith.cmpf olt, %add3A_437, %select_n3A_430 : vector<768x128xf32>
    %select_n3A_439 = arith.select %lt3A_438, %add3A_437, %select_n3A_430 : vector<768x128xi1>, vector<768x128xf32>
    %select_n3A_440 = arith.select %lt3A_438, %add3A_37, %select_n3A_431 : vector<768x128xi1>, vector<768x128xf32>
    %slice3A_441 = vector.extract_strided_slice %dot_general3A_398 {offsets = [0, 640], sizes = [768, 128], strides = [1, 1]} : vector<768x2048xf32> to vector<768x128xf32>
    %get3A_442 = arith.constant 0 : index
    %get3A_443 = arith.constant 4736 : index
    %get3A_444 = vector.load %arg7[%get3A_442, %get3A_443] : memref<1x8192xf32, #tpu.memory_space<vmem>>, vector<1x128xf32>
    %add3A_445 = vector.broadcast %get3A_444 : vector<1x128xf32> to vector<768x128xf32>
    %add3A_446 = arith.addf %slice3A_441, %add3A_445 : vector<768x128xf32>
    %lt3A_447 = arith.cmpf olt, %add3A_446, %select_n3A_439 : vector<768x128xf32>
    %select_n3A_448 = arith.select %lt3A_447, %add3A_446, %select_n3A_439 : vector<768x128xi1>, vector<768x128xf32>
    %select_n3A_449 = arith.select %lt3A_447, %add3A_40, %select_n3A_440 : vector<768x128xi1>, vector<768x128xf32>
    %slice3A_450 = vector.extract_strided_slice %dot_general3A_398 {offsets = [0, 768], sizes = [768, 128], strides = [1, 1]} : vector<768x2048xf32> to vector<768x128xf32>
    %get3A_451 = arith.constant 0 : index
    %get3A_452 = arith.constant 4864 : index
    %get3A_453 = vector.load %arg7[%get3A_451, %get3A_452] : memref<1x8192xf32, #tpu.memory_space<vmem>>, vector<1x128xf32>
    %add3A_454 = vector.broadcast %get3A_453 : vector<1x128xf32> to vector<768x128xf32>
    %add3A_455 = arith.addf %slice3A_450, %add3A_454 : vector<768x128xf32>
    %lt3A_456 = arith.cmpf olt, %add3A_455, %select_n3A_448 : vector<768x128xf32>
    %select_n3A_457 = arith.select %lt3A_456, %add3A_455, %select_n3A_448 : vector<768x128xi1>, vector<768x128xf32>
    %select_n3A_458 = arith.select %lt3A_456, %add3A_43, %select_n3A_449 : vector<768x128xi1>, vector<768x128xf32>
    %slice3A_459 = vector.extract_strided_slice %dot_general3A_398 {offsets = [0, 896], sizes = [768, 128], strides = [1, 1]} : vector<768x2048xf32> to vector<768x128xf32>
    %get3A_460 = arith.constant 0 : index
    %get3A_461 = arith.constant 4992 : index
    %get3A_462 = vector.load %arg7[%get3A_460, %get3A_461] : memref<1x8192xf32, #tpu.memory_space<vmem>>, vector<1x128xf32>
    %add3A_463 = vector.broadcast %get3A_462 : vector<1x128xf32> to vector<768x128xf32>
    %add3A_464 = arith.addf %slice3A_459, %add3A_463 : vector<768x128xf32>
    %lt3A_465 = arith.cmpf olt, %add3A_464, %select_n3A_457 : vector<768x128xf32>
    %select_n3A_466 = arith.select %lt3A_465, %add3A_464, %select_n3A_457 : vector<768x128xi1>, vector<768x128xf32>
    %select_n3A_467 = arith.select %lt3A_465, %add3A_46, %select_n3A_458 : vector<768x128xi1>, vector<768x128xf32>
    %slice3A_468 = vector.extract_strided_slice %dot_general3A_398 {offsets = [0, 1024], sizes = [768, 128], strides = [1, 1]} : vector<768x2048xf32> to vector<768x128xf32>
    %get3A_469 = arith.constant 0 : index
    %get3A_470 = arith.constant 5120 : index
    %get3A_471 = vector.load %arg7[%get3A_469, %get3A_470] : memref<1x8192xf32, #tpu.memory_space<vmem>>, vector<1x128xf32>
    %add3A_472 = vector.broadcast %get3A_471 : vector<1x128xf32> to vector<768x128xf32>
    %add3A_473 = arith.addf %slice3A_468, %add3A_472 : vector<768x128xf32>
    %lt3A_474 = arith.cmpf olt, %add3A_473, %select_n3A_466 : vector<768x128xf32>
    %select_n3A_475 = arith.select %lt3A_474, %add3A_473, %select_n3A_466 : vector<768x128xi1>, vector<768x128xf32>
    %select_n3A_476 = arith.select %lt3A_474, %add3A_49, %select_n3A_467 : vector<768x128xi1>, vector<768x128xf32>
    %slice3A_477 = vector.extract_strided_slice %dot_general3A_398 {offsets = [0, 1152], sizes = [768, 128], strides = [1, 1]} : vector<768x2048xf32> to vector<768x128xf32>
    %get3A_478 = arith.constant 0 : index
    %get3A_479 = arith.constant 5248 : index
    %get3A_480 = vector.load %arg7[%get3A_478, %get3A_479] : memref<1x8192xf32, #tpu.memory_space<vmem>>, vector<1x128xf32>
    %add3A_481 = vector.broadcast %get3A_480 : vector<1x128xf32> to vector<768x128xf32>
    %add3A_482 = arith.addf %slice3A_477, %add3A_481 : vector<768x128xf32>
    %lt3A_483 = arith.cmpf olt, %add3A_482, %select_n3A_475 : vector<768x128xf32>
    %select_n3A_484 = arith.select %lt3A_483, %add3A_482, %select_n3A_475 : vector<768x128xi1>, vector<768x128xf32>
    %select_n3A_485 = arith.select %lt3A_483, %add3A_52, %select_n3A_476 : vector<768x128xi1>, vector<768x128xf32>
    %slice3A_486 = vector.extract_strided_slice %dot_general3A_398 {offsets = [0, 1280], sizes = [768, 128], strides = [1, 1]} : vector<768x2048xf32> to vector<768x128xf32>
    %get3A_487 = arith.constant 0 : index
    %get3A_488 = arith.constant 5376 : index
    %get3A_489 = vector.load %arg7[%get3A_487, %get3A_488] : memref<1x8192xf32, #tpu.memory_space<vmem>>, vector<1x128xf32>
    %add3A_490 = vector.broadcast %get3A_489 : vector<1x128xf32> to vector<768x128xf32>
    %add3A_491 = arith.addf %slice3A_486, %add3A_490 : vector<768x128xf32>
    %lt3A_492 = arith.cmpf olt, %add3A_491, %select_n3A_484 : vector<768x128xf32>
    %select_n3A_493 = arith.select %lt3A_492, %add3A_491, %select_n3A_484 : vector<768x128xi1>, vector<768x128xf32>
    %select_n3A_494 = arith.select %lt3A_492, %add3A_55, %select_n3A_485 : vector<768x128xi1>, vector<768x128xf32>
    %slice3A_495 = vector.extract_strided_slice %dot_general3A_398 {offsets = [0, 1408], sizes = [768, 128], strides = [1, 1]} : vector<768x2048xf32> to vector<768x128xf32>
    %get3A_496 = arith.constant 0 : index
    %get3A_497 = arith.constant 5504 : index
    %get3A_498 = vector.load %arg7[%get3A_496, %get3A_497] : memref<1x8192xf32, #tpu.memory_space<vmem>>, vector<1x128xf32>
    %add3A_499 = vector.broadcast %get3A_498 : vector<1x128xf32> to vector<768x128xf32>
    %add3A_500 = arith.addf %slice3A_495, %add3A_499 : vector<768x128xf32>
    %lt3A_501 = arith.cmpf olt, %add3A_500, %select_n3A_493 : vector<768x128xf32>
    %select_n3A_502 = arith.select %lt3A_501, %add3A_500, %select_n3A_493 : vector<768x128xi1>, vector<768x128xf32>
    %select_n3A_503 = arith.select %lt3A_501, %add3A_58, %select_n3A_494 : vector<768x128xi1>, vector<768x128xf32>
    %slice3A_504 = vector.extract_strided_slice %dot_general3A_398 {offsets = [0, 1536], sizes = [768, 128], strides = [1, 1]} : vector<768x2048xf32> to vector<768x128xf32>
    %get3A_505 = arith.constant 0 : index
    %get3A_506 = arith.constant 5632 : index
    %get3A_507 = vector.load %arg7[%get3A_505, %get3A_506] : memref<1x8192xf32, #tpu.memory_space<vmem>>, vector<1x128xf32>
    %add3A_508 = vector.broadcast %get3A_507 : vector<1x128xf32> to vector<768x128xf32>
    %add3A_509 = arith.addf %slice3A_504, %add3A_508 : vector<768x128xf32>
    %lt3A_510 = arith.cmpf olt, %add3A_509, %select_n3A_502 : vector<768x128xf32>
    %select_n3A_511 = arith.select %lt3A_510, %add3A_509, %select_n3A_502 : vector<768x128xi1>, vector<768x128xf32>
    %select_n3A_512 = arith.select %lt3A_510, %add3A_61, %select_n3A_503 : vector<768x128xi1>, vector<768x128xf32>
    %slice3A_513 = vector.extract_strided_slice %dot_general3A_398 {offsets = [0, 1664], sizes = [768, 128], strides = [1, 1]} : vector<768x2048xf32> to vector<768x128xf32>
    %get3A_514 = arith.constant 0 : index
    %get3A_515 = arith.constant 5760 : index
    %get3A_516 = vector.load %arg7[%get3A_514, %get3A_515] : memref<1x8192xf32, #tpu.memory_space<vmem>>, vector<1x128xf32>
    %add3A_517 = vector.broadcast %get3A_516 : vector<1x128xf32> to vector<768x128xf32>
    %add3A_518 = arith.addf %slice3A_513, %add3A_517 : vector<768x128xf32>
    %lt3A_519 = arith.cmpf olt, %add3A_518, %select_n3A_511 : vector<768x128xf32>
    %select_n3A_520 = arith.select %lt3A_519, %add3A_518, %select_n3A_511 : vector<768x128xi1>, vector<768x128xf32>
    %select_n3A_521 = arith.select %lt3A_519, %add3A_64, %select_n3A_512 : vector<768x128xi1>, vector<768x128xf32>
    %slice3A_522 = vector.extract_strided_slice %dot_general3A_398 {offsets = [0, 1792], sizes = [768, 128], strides = [1, 1]} : vector<768x2048xf32> to vector<768x128xf32>
    %get3A_523 = arith.constant 0 : index
    %get3A_524 = arith.constant 5888 : index
    %get3A_525 = vector.load %arg7[%get3A_523, %get3A_524] : memref<1x8192xf32, #tpu.memory_space<vmem>>, vector<1x128xf32>
    %add3A_526 = vector.broadcast %get3A_525 : vector<1x128xf32> to vector<768x128xf32>
    %add3A_527 = arith.addf %slice3A_522, %add3A_526 : vector<768x128xf32>
    %lt3A_528 = arith.cmpf olt, %add3A_527, %select_n3A_520 : vector<768x128xf32>
    %select_n3A_529 = arith.select %lt3A_528, %add3A_527, %select_n3A_520 : vector<768x128xi1>, vector<768x128xf32>
    %select_n3A_530 = arith.select %lt3A_528, %add3A_67, %select_n3A_521 : vector<768x128xi1>, vector<768x128xf32>
    %slice3A_531 = vector.extract_strided_slice %dot_general3A_398 {offsets = [0, 1920], sizes = [768, 128], strides = [1, 1]} : vector<768x2048xf32> to vector<768x128xf32>
    %get3A_532 = arith.constant 0 : index
    %get3A_533 = arith.constant 6016 : index
    %get3A_534 = vector.load %arg7[%get3A_532, %get3A_533] : memref<1x8192xf32, #tpu.memory_space<vmem>>, vector<1x128xf32>
    %add3A_535 = vector.broadcast %get3A_534 : vector<1x128xf32> to vector<768x128xf32>
    %add3A_536 = arith.addf %slice3A_531, %add3A_535 : vector<768x128xf32>
    %lt3A_537 = arith.cmpf olt, %add3A_536, %select_n3A_529 : vector<768x128xf32>
    %select_n3A_538 = arith.select %lt3A_537, %add3A_536, %select_n3A_529 : vector<768x128xi1>, vector<768x128xf32>
    %select_n3A_539 = arith.select %lt3A_537, %add3A_70, %select_n3A_530 : vector<768x128xi1>, vector<768x128xf32>
    %reduce_min3A_540 = arith.constant dense<0x7F800000> : vector<768xf32>
    %reduce_min3A_541 = vector.multi_reduction <minimumf>, %select_n3A_538, %reduce_min3A_540 [1] : vector<768x128xf32> to vector<768xf32>
    %broadcast_in_dim3A_542 = vector.shape_cast %reduce_min3A_541 : vector<768xf32> to vector<768x1xf32>
    %eq3A_543 = vector.broadcast %broadcast_in_dim3A_542 : vector<768x1xf32> to vector<768x128xf32>
    %eq3A_544 = arith.cmpf oeq, %select_n3A_538, %eq3A_543 : vector<768x128xf32>
    %jit3A_545 = arith.constant 1.000000e+09 : f32
    %broadcast_in_dim3A_546 = vector.broadcast %jit3A_545 : f32 to vector<768x128xf32>
    %select_n3A_547 = arith.select %eq3A_544, %select_n3A_539, %broadcast_in_dim3A_546 : vector<768x128xi1>, vector<768x128xf32>
    %reduce_min3A_548 = arith.constant dense<0x7F800000> : vector<768xf32>
    %reduce_min3A_549 = vector.multi_reduction <minimumf>, %select_n3A_547, %reduce_min3A_548 [1] : vector<768x128xf32> to vector<768xf32>
    %broadcast_in_dim3A_550 = vector.shape_cast %reduce_min3A_549 : vector<768xf32> to vector<768x1xf32>
    %add3A_551 = arith.constant 4.096000e+03 : f32
    %add3A_552 = vector.broadcast %add3A_551 : f32 to vector<768x1xf32>
    %add3A_553 = arith.addf %broadcast_in_dim3A_550, %add3A_552 : vector<768x1xf32>
    %lt3A_554 = arith.cmpf olt, %broadcast_in_dim3A_542, %select_n3A_392 : vector<768x1xf32>
    %select_n3A_555 = arith.select %lt3A_554, %broadcast_in_dim3A_542, %select_n3A_392 : vector<768x1xi1>, vector<768x1xf32>
    %select_n3A_556 = arith.select %lt3A_554, %add3A_553, %select_n3A_393 : vector<768x1xi1>, vector<768x1xf32>
    %get3A_557 = arith.constant 6144 : index
    %get3A_558 = arith.constant 0 : index
    %get3A_559 = vector.load %arg6[%get3A_557, %get3A_558] : memref<8192x64xf32, #tpu.memory_space<vmem>>, vector<2048x64xf32>
    %dot_general3A_560 = arith.constant dense<0.000000e+00> : vector<768x2048xf32>
    %dot_general3A_561 = tpu.matmul %mul3A_22, %get3A_559, %dot_general3A_560 {dimension_numbers = #tpu.dot_dimension_numbers<[1], [1], [0], [0], [0, 0, 1, 0], [], []>, transpose_lhs_hint = false} : vector<768x64xf32>, vector<2048x64xf32>, vector<768x2048xf32> -> vector<768x2048xf32>
    %slice3A_562 = vector.extract_strided_slice %dot_general3A_561 {offsets = [0, 0], sizes = [768, 128], strides = [1, 1]} : vector<768x2048xf32> to vector<768x128xf32>
    %get3A_563 = arith.constant 0 : index
    %get3A_564 = arith.constant 6144 : index
    %get3A_565 = vector.load %arg7[%get3A_563, %get3A_564] : memref<1x8192xf32, #tpu.memory_space<vmem>>, vector<1x128xf32>
    %add3A_566 = vector.broadcast %get3A_565 : vector<1x128xf32> to vector<768x128xf32>
    %add3A_567 = arith.addf %slice3A_562, %add3A_566 : vector<768x128xf32>
    %slice3A_568 = vector.extract_strided_slice %dot_general3A_561 {offsets = [0, 128], sizes = [768, 128], strides = [1, 1]} : vector<768x2048xf32> to vector<768x128xf32>
    %get3A_569 = arith.constant 0 : index
    %get3A_570 = arith.constant 6272 : index
    %get3A_571 = vector.load %arg7[%get3A_569, %get3A_570] : memref<1x8192xf32, #tpu.memory_space<vmem>>, vector<1x128xf32>
    %add3A_572 = vector.broadcast %get3A_571 : vector<1x128xf32> to vector<768x128xf32>
    %add3A_573 = arith.addf %slice3A_568, %add3A_572 : vector<768x128xf32>
    %lt3A_574 = arith.cmpf olt, %add3A_573, %add3A_567 : vector<768x128xf32>
    %select_n3A_575 = arith.select %lt3A_574, %add3A_573, %add3A_567 : vector<768x128xi1>, vector<768x128xf32>
    %select_n3A_576 = arith.select %lt3A_574, %add3A_28, %add3A_25 : vector<768x128xi1>, vector<768x128xf32>
    %slice3A_577 = vector.extract_strided_slice %dot_general3A_561 {offsets = [0, 256], sizes = [768, 128], strides = [1, 1]} : vector<768x2048xf32> to vector<768x128xf32>
    %get3A_578 = arith.constant 0 : index
    %get3A_579 = arith.constant 6400 : index
    %get3A_580 = vector.load %arg7[%get3A_578, %get3A_579] : memref<1x8192xf32, #tpu.memory_space<vmem>>, vector<1x128xf32>
    %add3A_581 = vector.broadcast %get3A_580 : vector<1x128xf32> to vector<768x128xf32>
    %add3A_582 = arith.addf %slice3A_577, %add3A_581 : vector<768x128xf32>
    %lt3A_583 = arith.cmpf olt, %add3A_582, %select_n3A_575 : vector<768x128xf32>
    %select_n3A_584 = arith.select %lt3A_583, %add3A_582, %select_n3A_575 : vector<768x128xi1>, vector<768x128xf32>
    %select_n3A_585 = arith.select %lt3A_583, %add3A_31, %select_n3A_576 : vector<768x128xi1>, vector<768x128xf32>
    %slice3A_586 = vector.extract_strided_slice %dot_general3A_561 {offsets = [0, 384], sizes = [768, 128], strides = [1, 1]} : vector<768x2048xf32> to vector<768x128xf32>
    %get3A_587 = arith.constant 0 : index
    %get3A_588 = arith.constant 6528 : index
    %get3A_589 = vector.load %arg7[%get3A_587, %get3A_588] : memref<1x8192xf32, #tpu.memory_space<vmem>>, vector<1x128xf32>
    %add3A_590 = vector.broadcast %get3A_589 : vector<1x128xf32> to vector<768x128xf32>
    %add3A_591 = arith.addf %slice3A_586, %add3A_590 : vector<768x128xf32>
    %lt3A_592 = arith.cmpf olt, %add3A_591, %select_n3A_584 : vector<768x128xf32>
    %select_n3A_593 = arith.select %lt3A_592, %add3A_591, %select_n3A_584 : vector<768x128xi1>, vector<768x128xf32>
    %select_n3A_594 = arith.select %lt3A_592, %add3A_34, %select_n3A_585 : vector<768x128xi1>, vector<768x128xf32>
    %slice3A_595 = vector.extract_strided_slice %dot_general3A_561 {offsets = [0, 512], sizes = [768, 128], strides = [1, 1]} : vector<768x2048xf32> to vector<768x128xf32>
    %get3A_596 = arith.constant 0 : index
    %get3A_597 = arith.constant 6656 : index
    %get3A_598 = vector.load %arg7[%get3A_596, %get3A_597] : memref<1x8192xf32, #tpu.memory_space<vmem>>, vector<1x128xf32>
    %add3A_599 = vector.broadcast %get3A_598 : vector<1x128xf32> to vector<768x128xf32>
    %add3A_600 = arith.addf %slice3A_595, %add3A_599 : vector<768x128xf32>
    %lt3A_601 = arith.cmpf olt, %add3A_600, %select_n3A_593 : vector<768x128xf32>
    %select_n3A_602 = arith.select %lt3A_601, %add3A_600, %select_n3A_593 : vector<768x128xi1>, vector<768x128xf32>
    %select_n3A_603 = arith.select %lt3A_601, %add3A_37, %select_n3A_594 : vector<768x128xi1>, vector<768x128xf32>
    %slice3A_604 = vector.extract_strided_slice %dot_general3A_561 {offsets = [0, 640], sizes = [768, 128], strides = [1, 1]} : vector<768x2048xf32> to vector<768x128xf32>
    %get3A_605 = arith.constant 0 : index
    %get3A_606 = arith.constant 6784 : index
    %get3A_607 = vector.load %arg7[%get3A_605, %get3A_606] : memref<1x8192xf32, #tpu.memory_space<vmem>>, vector<1x128xf32>
    %add3A_608 = vector.broadcast %get3A_607 : vector<1x128xf32> to vector<768x128xf32>
    %add3A_609 = arith.addf %slice3A_604, %add3A_608 : vector<768x128xf32>
    %lt3A_610 = arith.cmpf olt, %add3A_609, %select_n3A_602 : vector<768x128xf32>
    %select_n3A_611 = arith.select %lt3A_610, %add3A_609, %select_n3A_602 : vector<768x128xi1>, vector<768x128xf32>
    %select_n3A_612 = arith.select %lt3A_610, %add3A_40, %select_n3A_603 : vector<768x128xi1>, vector<768x128xf32>
    %slice3A_613 = vector.extract_strided_slice %dot_general3A_561 {offsets = [0, 768], sizes = [768, 128], strides = [1, 1]} : vector<768x2048xf32> to vector<768x128xf32>
    %get3A_614 = arith.constant 0 : index
    %get3A_615 = arith.constant 6912 : index
    %get3A_616 = vector.load %arg7[%get3A_614, %get3A_615] : memref<1x8192xf32, #tpu.memory_space<vmem>>, vector<1x128xf32>
    %add3A_617 = vector.broadcast %get3A_616 : vector<1x128xf32> to vector<768x128xf32>
    %add3A_618 = arith.addf %slice3A_613, %add3A_617 : vector<768x128xf32>
    %lt3A_619 = arith.cmpf olt, %add3A_618, %select_n3A_611 : vector<768x128xf32>
    %select_n3A_620 = arith.select %lt3A_619, %add3A_618, %select_n3A_611 : vector<768x128xi1>, vector<768x128xf32>
    %select_n3A_621 = arith.select %lt3A_619, %add3A_43, %select_n3A_612 : vector<768x128xi1>, vector<768x128xf32>
    %slice3A_622 = vector.extract_strided_slice %dot_general3A_561 {offsets = [0, 896], sizes = [768, 128], strides = [1, 1]} : vector<768x2048xf32> to vector<768x128xf32>
    %get3A_623 = arith.constant 0 : index
    %get3A_624 = arith.constant 7040 : index
    %get3A_625 = vector.load %arg7[%get3A_623, %get3A_624] : memref<1x8192xf32, #tpu.memory_space<vmem>>, vector<1x128xf32>
    %add3A_626 = vector.broadcast %get3A_625 : vector<1x128xf32> to vector<768x128xf32>
    %add3A_627 = arith.addf %slice3A_622, %add3A_626 : vector<768x128xf32>
    %lt3A_628 = arith.cmpf olt, %add3A_627, %select_n3A_620 : vector<768x128xf32>
    %select_n3A_629 = arith.select %lt3A_628, %add3A_627, %select_n3A_620 : vector<768x128xi1>, vector<768x128xf32>
    %select_n3A_630 = arith.select %lt3A_628, %add3A_46, %select_n3A_621 : vector<768x128xi1>, vector<768x128xf32>
    %slice3A_631 = vector.extract_strided_slice %dot_general3A_561 {offsets = [0, 1024], sizes = [768, 128], strides = [1, 1]} : vector<768x2048xf32> to vector<768x128xf32>
    %get3A_632 = arith.constant 0 : index
    %get3A_633 = arith.constant 7168 : index
    %get3A_634 = vector.load %arg7[%get3A_632, %get3A_633] : memref<1x8192xf32, #tpu.memory_space<vmem>>, vector<1x128xf32>
    %add3A_635 = vector.broadcast %get3A_634 : vector<1x128xf32> to vector<768x128xf32>
    %add3A_636 = arith.addf %slice3A_631, %add3A_635 : vector<768x128xf32>
    %lt3A_637 = arith.cmpf olt, %add3A_636, %select_n3A_629 : vector<768x128xf32>
    %select_n3A_638 = arith.select %lt3A_637, %add3A_636, %select_n3A_629 : vector<768x128xi1>, vector<768x128xf32>
    %select_n3A_639 = arith.select %lt3A_637, %add3A_49, %select_n3A_630 : vector<768x128xi1>, vector<768x128xf32>
    %slice3A_640 = vector.extract_strided_slice %dot_general3A_561 {offsets = [0, 1152], sizes = [768, 128], strides = [1, 1]} : vector<768x2048xf32> to vector<768x128xf32>
    %get3A_641 = arith.constant 0 : index
    %get3A_642 = arith.constant 7296 : index
    %get3A_643 = vector.load %arg7[%get3A_641, %get3A_642] : memref<1x8192xf32, #tpu.memory_space<vmem>>, vector<1x128xf32>
    %add3A_644 = vector.broadcast %get3A_643 : vector<1x128xf32> to vector<768x128xf32>
    %add3A_645 = arith.addf %slice3A_640, %add3A_644 : vector<768x128xf32>
    %lt3A_646 = arith.cmpf olt, %add3A_645, %select_n3A_638 : vector<768x128xf32>
    %select_n3A_647 = arith.select %lt3A_646, %add3A_645, %select_n3A_638 : vector<768x128xi1>, vector<768x128xf32>
    %select_n3A_648 = arith.select %lt3A_646, %add3A_52, %select_n3A_639 : vector<768x128xi1>, vector<768x128xf32>
    %slice3A_649 = vector.extract_strided_slice %dot_general3A_561 {offsets = [0, 1280], sizes = [768, 128], strides = [1, 1]} : vector<768x2048xf32> to vector<768x128xf32>
    %get3A_650 = arith.constant 0 : index
    %get3A_651 = arith.constant 7424 : index
    %get3A_652 = vector.load %arg7[%get3A_650, %get3A_651] : memref<1x8192xf32, #tpu.memory_space<vmem>>, vector<1x128xf32>
    %add3A_653 = vector.broadcast %get3A_652 : vector<1x128xf32> to vector<768x128xf32>
    %add3A_654 = arith.addf %slice3A_649, %add3A_653 : vector<768x128xf32>
    %lt3A_655 = arith.cmpf olt, %add3A_654, %select_n3A_647 : vector<768x128xf32>
    %select_n3A_656 = arith.select %lt3A_655, %add3A_654, %select_n3A_647 : vector<768x128xi1>, vector<768x128xf32>
    %select_n3A_657 = arith.select %lt3A_655, %add3A_55, %select_n3A_648 : vector<768x128xi1>, vector<768x128xf32>
    %slice3A_658 = vector.extract_strided_slice %dot_general3A_561 {offsets = [0, 1408], sizes = [768, 128], strides = [1, 1]} : vector<768x2048xf32> to vector<768x128xf32>
    %get3A_659 = arith.constant 0 : index
    %get3A_660 = arith.constant 7552 : index
    %get3A_661 = vector.load %arg7[%get3A_659, %get3A_660] : memref<1x8192xf32, #tpu.memory_space<vmem>>, vector<1x128xf32>
    %add3A_662 = vector.broadcast %get3A_661 : vector<1x128xf32> to vector<768x128xf32>
    %add3A_663 = arith.addf %slice3A_658, %add3A_662 : vector<768x128xf32>
    %lt3A_664 = arith.cmpf olt, %add3A_663, %select_n3A_656 : vector<768x128xf32>
    %select_n3A_665 = arith.select %lt3A_664, %add3A_663, %select_n3A_656 : vector<768x128xi1>, vector<768x128xf32>
    %select_n3A_666 = arith.select %lt3A_664, %add3A_58, %select_n3A_657 : vector<768x128xi1>, vector<768x128xf32>
    %slice3A_667 = vector.extract_strided_slice %dot_general3A_561 {offsets = [0, 1536], sizes = [768, 128], strides = [1, 1]} : vector<768x2048xf32> to vector<768x128xf32>
    %get3A_668 = arith.constant 0 : index
    %get3A_669 = arith.constant 7680 : index
    %get3A_670 = vector.load %arg7[%get3A_668, %get3A_669] : memref<1x8192xf32, #tpu.memory_space<vmem>>, vector<1x128xf32>
    %add3A_671 = vector.broadcast %get3A_670 : vector<1x128xf32> to vector<768x128xf32>
    %add3A_672 = arith.addf %slice3A_667, %add3A_671 : vector<768x128xf32>
    %lt3A_673 = arith.cmpf olt, %add3A_672, %select_n3A_665 : vector<768x128xf32>
    %select_n3A_674 = arith.select %lt3A_673, %add3A_672, %select_n3A_665 : vector<768x128xi1>, vector<768x128xf32>
    %select_n3A_675 = arith.select %lt3A_673, %add3A_61, %select_n3A_666 : vector<768x128xi1>, vector<768x128xf32>
    %slice3A_676 = vector.extract_strided_slice %dot_general3A_561 {offsets = [0, 1664], sizes = [768, 128], strides = [1, 1]} : vector<768x2048xf32> to vector<768x128xf32>
    %get3A_677 = arith.constant 0 : index
    %get3A_678 = arith.constant 7808 : index
    %get3A_679 = vector.load %arg7[%get3A_677, %get3A_678] : memref<1x8192xf32, #tpu.memory_space<vmem>>, vector<1x128xf32>
    %add3A_680 = vector.broadcast %get3A_679 : vector<1x128xf32> to vector<768x128xf32>
    %add3A_681 = arith.addf %slice3A_676, %add3A_680 : vector<768x128xf32>
    %lt3A_682 = arith.cmpf olt, %add3A_681, %select_n3A_674 : vector<768x128xf32>
    %select_n3A_683 = arith.select %lt3A_682, %add3A_681, %select_n3A_674 : vector<768x128xi1>, vector<768x128xf32>
    %select_n3A_684 = arith.select %lt3A_682, %add3A_64, %select_n3A_675 : vector<768x128xi1>, vector<768x128xf32>
    %slice3A_685 = vector.extract_strided_slice %dot_general3A_561 {offsets = [0, 1792], sizes = [768, 128], strides = [1, 1]} : vector<768x2048xf32> to vector<768x128xf32>
    %get3A_686 = arith.constant 0 : index
    %get3A_687 = arith.constant 7936 : index
    %get3A_688 = vector.load %arg7[%get3A_686, %get3A_687] : memref<1x8192xf32, #tpu.memory_space<vmem>>, vector<1x128xf32>
    %add3A_689 = vector.broadcast %get3A_688 : vector<1x128xf32> to vector<768x128xf32>
    %add3A_690 = arith.addf %slice3A_685, %add3A_689 : vector<768x128xf32>
    %lt3A_691 = arith.cmpf olt, %add3A_690, %select_n3A_683 : vector<768x128xf32>
    %select_n3A_692 = arith.select %lt3A_691, %add3A_690, %select_n3A_683 : vector<768x128xi1>, vector<768x128xf32>
    %select_n3A_693 = arith.select %lt3A_691, %add3A_67, %select_n3A_684 : vector<768x128xi1>, vector<768x128xf32>
    %slice3A_694 = vector.extract_strided_slice %dot_general3A_561 {offsets = [0, 1920], sizes = [768, 128], strides = [1, 1]} : vector<768x2048xf32> to vector<768x128xf32>
    %get3A_695 = arith.constant 0 : index
    %get3A_696 = arith.constant 8064 : index
    %get3A_697 = vector.load %arg7[%get3A_695, %get3A_696] : memref<1x8192xf32, #tpu.memory_space<vmem>>, vector<1x128xf32>
    %add3A_698 = vector.broadcast %get3A_697 : vector<1x128xf32> to vector<768x128xf32>
    %add3A_699 = arith.addf %slice3A_694, %add3A_698 : vector<768x128xf32>
    %lt3A_700 = arith.cmpf olt, %add3A_699, %select_n3A_692 : vector<768x128xf32>
    %select_n3A_701 = arith.select %lt3A_700, %add3A_699, %select_n3A_692 : vector<768x128xi1>, vector<768x128xf32>
    %select_n3A_702 = arith.select %lt3A_700, %add3A_70, %select_n3A_693 : vector<768x128xi1>, vector<768x128xf32>
    %reduce_min3A_703 = arith.constant dense<0x7F800000> : vector<768xf32>
    %reduce_min3A_704 = vector.multi_reduction <minimumf>, %select_n3A_701, %reduce_min3A_703 [1] : vector<768x128xf32> to vector<768xf32>
    %broadcast_in_dim3A_705 = vector.shape_cast %reduce_min3A_704 : vector<768xf32> to vector<768x1xf32>
    %eq3A_706 = vector.broadcast %broadcast_in_dim3A_705 : vector<768x1xf32> to vector<768x128xf32>
    %eq3A_707 = arith.cmpf oeq, %select_n3A_701, %eq3A_706 : vector<768x128xf32>
    %jit3A_708 = arith.constant 1.000000e+09 : f32
    %broadcast_in_dim3A_709 = vector.broadcast %jit3A_708 : f32 to vector<768x128xf32>
    %select_n3A_710 = arith.select %eq3A_707, %select_n3A_702, %broadcast_in_dim3A_709 : vector<768x128xi1>, vector<768x128xf32>
    %reduce_min3A_711 = arith.constant dense<0x7F800000> : vector<768xf32>
    %reduce_min3A_712 = vector.multi_reduction <minimumf>, %select_n3A_710, %reduce_min3A_711 [1] : vector<768x128xf32> to vector<768xf32>
    %broadcast_in_dim3A_713 = vector.shape_cast %reduce_min3A_712 : vector<768xf32> to vector<768x1xf32>
    %add3A_714 = arith.constant 6.144000e+03 : f32
    %add3A_715 = vector.broadcast %add3A_714 : f32 to vector<768x1xf32>
    %add3A_716 = arith.addf %broadcast_in_dim3A_713, %add3A_715 : vector<768x1xf32>
    %lt3A_717 = arith.cmpf olt, %broadcast_in_dim3A_705, %select_n3A_555 : vector<768x1xf32>
    %select_n3A_718 = arith.select %lt3A_717, %add3A_716, %select_n3A_556 : vector<768x1xi1>, vector<768x1xf32>
    %convert_element_type3A_719 = arith.fptosi %select_n3A_718 : vector<768x1xf32> to vector<768x1xi32>
    %swap3A_720 = arith.constant 0 : index
    %swap3A_721 = arith.constant 0 : index
    %swap3A_722 = vector.load %arg9[%swap3A_720, %swap3A_721] : memref<768x1xi32, #tpu.memory_space<vmem>>, vector<768x1xi32>
    tpu.vector_store %arg9[%swap3A_720, %swap3A_721], %convert_element_type3A_719 {strides = array<i32>} : memref<768x1xi32, #tpu.memory_space<vmem>>, vector<768x1xi32>,
    return
  }
  func.func @transform_0(%arg0: i32) -> (i32, i32) {
    %c0_i32 = arith.constant 0 : i32
    %c0_i32_0 = arith.constant 0 : i32
    return %arg0, %c0_i32 : i32, i32
  }
  func.func @transform_1(%arg0: i32) -> (i32, i32) {
    %c0_i32 = arith.constant 0 : i32
    %c0_i32_0 = arith.constant 0 : i32
    return %arg0, %c0_i32 : i32, i32
  }
  func.func @transform_2(%arg0: i32) -> (i32, i32) {
    %c0_i32 = arith.constant 0 : i32
    %c0_i32_0 = arith.constant 0 : i32
    %c0_i32_1 = arith.constant 0 : i32
    return %c0_i32, %c0_i32_0 : i32, i32
  }
  func.func @transform_3(%arg0: i32) -> (i32, i32) {
    %c0_i32 = arith.constant 0 : i32
    %c0_i32_0 = arith.constant 0 : i32
    %c0_i32_1 = arith.constant 0 : i32
    return %c0_i32, %c0_i32_0 : i32, i32
  }
  func.func @transform_4(%arg0: i32) -> (i32, i32) {
    %c0_i32 = arith.constant 0 : i32
    %c0_i32_0 = arith.constant 0 : i32
    %c0_i32_1 = arith.constant 0 : i32
    return %c0_i32, %c0_i32_0 : i32, i32
  }
  func.func @transform_5(%arg0: i32) -> (i32, i32) {
    %c0_i32 = arith.constant 0 : i32
    %c0_i32_0 = arith.constant 0 : i32
    %c0_i32_1 = arith.constant 0 : i32
    return %c0_i32, %c0_i32_0 : i32, i32
  }
  func.func @transform_6(%arg0: i32) -> (i32, i32) {
    %c0_i32 = arith.constant 0 : i32
    %c0_i32_0 = arith.constant 0 : i32
    %c0_i32_1 = arith.constant 0 : i32
    return %c0_i32, %c0_i32_0 : i32, i32
  }
  func.func @transform_7(%arg0: i32) -> (i32, i32) {
    %c0_i32 = arith.constant 0 : i32
    %c0_i32_0 = arith.constant 0 : i32
    return %arg0, %c0_i32 : i32, i32
  }
  func.func @transform_8(%arg0: i32) -> (i32, i32) {
    %c0_i32 = arith.constant 0 : i32
    %c0_i32_0 = arith.constant 0 : i32
    return %arg0, %c0_i32 : i32, i32
  }
}

module attributes {stable_mosaic.version = 14 : i64} {
  func.func @_dec_body(%arg0: i32, %arg1: memref<1056x64xf32, #tpu.memory_space<vmem>>, %arg2: memref<4x64x64xf32, #tpu.memory_space<vmem>>, %arg3: memref<1x64xf32, #tpu.memory_space<vmem>>, %arg4: memref<1024x64xf32, #tpu.memory_space<vmem>>, %arg5: memref<1024x64xf32, #tpu.memory_space<vmem>>) attributes {dimension_semantics = [#tpu.dimension_semantics<arbitrary>], iteration_bounds = array<i64: 8>, scalar_prefetch = 0 : i64, scratch_operands = 0 : i64, tpu.core_type = #tpu.core_type<tc>, window_params = [{transform_indices = @transform_0, window_bounds = array<i64: 1056, 64>}, {pipeline_mode = #tpu.pipeline_mode<synchronous>, transform_indices = @transform_1, window_bounds = array<i64: 4, 64, 64>}, {pipeline_mode = #tpu.pipeline_mode<synchronous>, transform_indices = @transform_2, window_bounds = array<i64: 1, 64>}, {transform_indices = @transform_3, window_bounds = array<i64: 1024, 64>}, {transform_indices = @transform_4, window_bounds = array<i64: 1024, 64>}]} {
    %get3A = arith.constant 0 : index
    %get3A_0 = arith.constant 0 : index
    %get3A_1 = vector.load %arg1[%get3A, %get3A_0] : memref<1056x64xf32, #tpu.memory_space<vmem>>, vector<1056x64xf32>
    %slice3A = vector.extract_strided_slice %get3A_1 {offsets = [0, 0], sizes = [1024, 64], strides = [1, 1]} : vector<1056x64xf32> to vector<1024x64xf32>
    %slice3A_2 = vector.extract_strided_slice %get3A_1 {offsets = [1, 0], sizes = [1024, 64], strides = [1, 1]} : vector<1056x64xf32> to vector<1024x64xf32>
    %get3A_3 = arith.constant 0 : index
    %get3A_4 = arith.constant 0 : index
    %get3A_5 = vector.load %arg3[%get3A_3, %get3A_4] : memref<1x64xf32, #tpu.memory_space<vmem>>, vector<1x64xf32>
    %get3A_6 = arith.constant 0 : index
    %get3A_7 = arith.constant 0 : index
    %get3A_8 = arith.constant 0 : index
    %get3A_9 = vector.load %arg2[%get3A_6, %get3A_7, %get3A_8] : memref<4x64x64xf32, #tpu.memory_space<vmem>>, vector<1x64x64xf32>
    %get3A_10 = vector.shape_cast %get3A_9 : vector<1x64x64xf32> to vector<64x64xf32>
    %dot_general3A = arith.constant dense<0.000000e+00> : vector<1024x64xf32>
    %dot_general3A_11 = tpu.matmul %slice3A_2, %get3A_10, %dot_general3A {dimension_numbers = #tpu.dot_dimension_numbers<[1], [0], [0], [1], [0, 0, 1, 1], [], []>, transpose_lhs_hint = false} : vector<1024x64xf32>, vector<64x64xf32>, vector<1024x64xf32> -> vector<1024x64xf32>
    %get3A_12 = arith.constant 2 : index
    %get3A_13 = arith.constant 0 : index
    %get3A_14 = arith.constant 0 : index
    %get3A_15 = vector.load %arg2[%get3A_12, %get3A_13, %get3A_14] : memref<4x64x64xf32, #tpu.memory_space<vmem>>, vector<1x64x64xf32>
    %get3A_16 = vector.shape_cast %get3A_15 : vector<1x64x64xf32> to vector<64x64xf32>
    %dot_general3A_17 = arith.constant dense<0.000000e+00> : vector<1024x64xf32>
    %dot_general3A_18 = tpu.matmul %slice3A, %get3A_16, %dot_general3A_17 {dimension_numbers = #tpu.dot_dimension_numbers<[1], [0], [0], [1], [0, 0, 1, 1], [], []>, transpose_lhs_hint = false} : vector<1024x64xf32>, vector<64x64xf32>, vector<1024x64xf32> -> vector<1024x64xf32>
    %add3A = arith.addf %dot_general3A_11, %dot_general3A_18 : vector<1024x64xf32>
    %add3A_19 = vector.broadcast %get3A_5 : vector<1x64xf32> to vector<1024x64xf32>
    %add3A_20 = arith.addf %add3A, %add3A_19 : vector<1024x64xf32>
    %swap3A = arith.constant 0 : index
    %swap3A_21 = arith.constant 0 : index
    %swap3A_22 = vector.load %arg4[%swap3A, %swap3A_21] : memref<1024x64xf32, #tpu.memory_space<vmem>>, vector<1024x64xf32>
    tpu.vector_store %arg4[%swap3A, %swap3A_21], %add3A_20 {strides = array<i32>} : memref<1024x64xf32, #tpu.memory_space<vmem>>, vector<1024x64xf32>,
    %get3A_23 = arith.constant 1 : index
    %get3A_24 = arith.constant 0 : index
    %get3A_25 = arith.constant 0 : index
    %get3A_26 = vector.load %arg2[%get3A_23, %get3A_24, %get3A_25] : memref<4x64x64xf32, #tpu.memory_space<vmem>>, vector<1x64x64xf32>
    %get3A_27 = vector.shape_cast %get3A_26 : vector<1x64x64xf32> to vector<64x64xf32>
    %dot_general3A_28 = arith.constant dense<0.000000e+00> : vector<1024x64xf32>
    %dot_general3A_29 = tpu.matmul %slice3A_2, %get3A_27, %dot_general3A_28 {dimension_numbers = #tpu.dot_dimension_numbers<[1], [0], [0], [1], [0, 0, 1, 1], [], []>, transpose_lhs_hint = false} : vector<1024x64xf32>, vector<64x64xf32>, vector<1024x64xf32> -> vector<1024x64xf32>
    %get3A_30 = arith.constant 3 : index
    %get3A_31 = arith.constant 0 : index
    %get3A_32 = arith.constant 0 : index
    %get3A_33 = vector.load %arg2[%get3A_30, %get3A_31, %get3A_32] : memref<4x64x64xf32, #tpu.memory_space<vmem>>, vector<1x64x64xf32>
    %get3A_34 = vector.shape_cast %get3A_33 : vector<1x64x64xf32> to vector<64x64xf32>
    %dot_general3A_35 = arith.constant dense<0.000000e+00> : vector<1024x64xf32>
    %dot_general3A_36 = tpu.matmul %slice3A, %get3A_34, %dot_general3A_35 {dimension_numbers = #tpu.dot_dimension_numbers<[1], [0], [0], [1], [0, 0, 1, 1], [], []>, transpose_lhs_hint = false} : vector<1024x64xf32>, vector<64x64xf32>, vector<1024x64xf32> -> vector<1024x64xf32>
    %add3A_37 = arith.addf %dot_general3A_29, %dot_general3A_36 : vector<1024x64xf32>
    %add3A_38 = vector.broadcast %get3A_5 : vector<1x64xf32> to vector<1024x64xf32>
    %add3A_39 = arith.addf %add3A_37, %add3A_38 : vector<1024x64xf32>
    %swap3A_40 = arith.constant 0 : index
    %swap3A_41 = arith.constant 0 : index
    %swap3A_42 = vector.load %arg5[%swap3A_40, %swap3A_41] : memref<1024x64xf32, #tpu.memory_space<vmem>>, vector<1024x64xf32>
    tpu.vector_store %arg5[%swap3A_40, %swap3A_41], %add3A_39 {strides = array<i32>} : memref<1024x64xf32, #tpu.memory_space<vmem>>, vector<1024x64xf32>,
    return
  }
  func.func @transform_0(%arg0: i32) -> (i32, i32) {
    %c0_i32 = arith.constant 0 : i32
    %c0_i32_0 = arith.constant 0 : i32
    return %arg0, %c0_i32 : i32, i32
  }
  func.func @transform_1(%arg0: i32) -> (i32, i32, i32) {
    %c0_i32 = arith.constant 0 : i32
    %c0_i32_0 = arith.constant 0 : i32
    %c0_i32_1 = arith.constant 0 : i32
    %c0_i32_2 = arith.constant 0 : i32
    return %c0_i32, %c0_i32_0, %c0_i32_1 : i32, i32, i32
  }
  func.func @transform_2(%arg0: i32) -> (i32, i32) {
    %c0_i32 = arith.constant 0 : i32
    %c0_i32_0 = arith.constant 0 : i32
    %c0_i32_1 = arith.constant 0 : i32
    return %c0_i32, %c0_i32_0 : i32, i32
  }
  func.func @transform_3(%arg0: i32) -> (i32, i32) {
    %c0_i32 = arith.constant 0 : i32
    %c0_i32_0 = arith.constant 0 : i32
    return %arg0, %c0_i32 : i32, i32
  }
  func.func @transform_4(%arg0: i32) -> (i32, i32) {
    %c0_i32 = arith.constant 0 : i32
    %c0_i32_0 = arith.constant 0 : i32
    return %arg0, %c0_i32 : i32, i32
  }
}

</mosaic_0001>

<sc_bundles>
// kernel: kernel.6.cloned.1.call-start
scs
__scs_entry_jumppad:
0x0: {  	(pc) =	sbr.rel $0x88, $3  }
0x1: {  	(tag) =	ssettag $0x0;
	lr =	simm.s32 $0x1  }
0x2: {  	[smem:$0x3F9B] =	sst lr;
	_ =	strace $0xD0000000  }
0x3: {  	_ = 	snop  }
0x4: {  	_ = 	snop  }
0x5: {  	_ = 	snop  }
0x6: {  	_ = 	snop  }
0x7: {  	_ = 	snop  }
__scs_overlays_trampoline_lowered:
0x8: {  	[smem:$0x3FAA] =	sst s0  }
0x9: {  	[smem:$0x3FAB] =	sst s1  }
0xa: {  	[smem:$0x3FAC] =	sst s2  }
0xb: {  	[smem:$0x3FAD] =	sst s3  }
0xc: {  	[smem:$0x3FAE] =	sst s4  }
0xd: {  	[smem:$0x3FAF] =	sst s5  }
0xe: {  	[smem:$0x3FB0] =	sst s6  }
0xf: {  	[smem:$0x3FB1] =	sst s7  }
0x10: {  	[smem:$0x3FB2] =	sst s8  }
0x11: {  	[smem:$0x3FB3] =	sst s9;
	s0 =	simm.s32 @!p0 $0x0  }
0x12: {  	s1 =	sld [smem:$0x3F99];
	s0 =	simm.s32 @p0 $0x1  }
0x13: {  	[smem:$0x3FB4] =	sst s0;
	s0 =	simm.s32 @!p1 $0x0  }
0x14: {  	s2 =	sld [smem:$0x3F98];
	s0 =	simm.s32 @p1 $0x1  }
0x15: {  	[smem:$0x3FB5] =	sst s0;
	s0 =	simm.s32 @!p2 $0x0  }
0x16: {  	s3 =	sld [smem:$0x3FDB];
	s0 =	simm.s32 @p2 $0x1  }
0x17: {  	s4 =	simm.s32 $0x1BF5;
	[smem:$0x3FB7] =	sst s0  }
0x18: {  	s0 =	sld [smem:$0x3F9A];
	_ =	swait.ge [sflag:s4], $0x0  }
0x19: {  	s7 =	sld [smem:$0x3F9B]  }
0x1a: {  	s8 =	sadd.s32 $0xFFFFE003, lr  }
0x1b: {  	s9 =	sadd.s32 $0xFFFFFEF7, lr;
	s5 =	simm.s32 $0xFFFFFFFF;
	p2 =	slt.u32 s8, $0xFFFFF086  }
0x1c: {  	p1 =	slt.u32 s9, $0xF7A;
	s5 =	simm.s32 @!p2 $0x0  }
0x1d: {  	s5 =	simm.s32 @p1 $0x1;
	p0 =	seq.s32 s7, s2  }
0x1e: {  	s7 =	smul.u32 @!p0 $0xF7A, s2;
	p2 =	seq.s32 @!p0 s5, $0x0  }
0x1f: {  	s9 =	smul.u32 $0xF7A, s1;
	s8 =	simm.s32 @!p0 $0x1BF5;
	p2 =	por !p2, p0  }
0x20: {  	[sflag:s8] =	ssyncset.s32 @!p0 $0xFFFFF086;
	s6 =	sadd.s32 @!p0 s3, s7;
	s7 =	simm.s32 @!p0 $0x108  }
0x21: {  	s3 =	sadd.s32 s3, s9;
	s6 =	sadd.s32 @!p0 $0x88, s6;
	s7 =	simm.s32 @p2 $0x1082  }
0x22: {  	[simem:s7], [sflag:s8] =	dma.local @!p0 [hbm:s6], $0xF7A  }
0x23: {  	s9 =	sor.u32 $0xD0000000, s2;
	s6 =	simm.s32 $0x108;
	_ =	swait.ge @!p0 [sflag:s8], $0x0  }
0x24: {  	s3 =	sadd.s32 $0x88, s3;
	s6 =	simm.s32 @!p1 $0x1082;
	[sflag:s4] =	ssyncset.s32 $0xFFFFF086  }
0x25: {  	[simem:s6], [sflag:s4] =	dma.local [hbm:s3], $0xF7A  }
0x26: {  	[smem:$0x3F9B] =	sst s1;
	(tag) =	ssettag s2;
	_ =	strace s9  }
0x27: {  	s1 =	sld [smem:$0x3FAB]  }
0x28: {  	s2 =	sld [smem:$0x3FAC]  }
0x29: {  	s4 =	sld [smem:$0x3FAE]  }
0x2a: {  	p0 =	seq.s32 s5, $0x0;
	s5 =	sld [smem:$0x3FAF]  }
0x2b: {  	s6 =	sld [smem:$0x3FB0]  }
0x2c: {  	s7 =	sld [smem:$0x3FB1]  }
0x2d: {  	s3 =	simm.s32 $0x108;
	s8 =	sld [smem:$0x3FB2]  }
0x2e: {  	s3 =	simm.s32 @!p0 $0x1082;
	s9 =	sld [smem:$0x3FB3]  }
0x2f: {  	lr =	sadd.s32 s0, s3;
	s0 =	sld [smem:$0x3FAA]  }
0x30: {  	s3 =	sld [smem:$0x3FAD]  }
0x31: {  	[smem:$0x3FB6] =	sst s10  }
0x32: {  	s10 =	sld [smem:$0x3FB4];
	_ =	sdelay $0x3  }
0x33: {  	p0 =	seq.s32 s10, $0x1;
	s10 =	sld [smem:$0x3FB6];
	_ =	sdelay $0x3  }
0x34: {  	[smem:$0x3FB6] =	sst s10  }
0x35: {  	s10 =	sld [smem:$0x3FB5];
	_ =	sdelay $0x3  }
0x36: {  	p1 =	seq.s32 s10, $0x1;
	s10 =	sld [smem:$0x3FB6];
	_ =	sdelay $0x3  }
0x37: {  	[smem:$0x3FB6] =	sst s10  }
0x38: {  	s10 =	sld [smem:$0x3FB7]  }
0x39: {  	_ = 	snop;
	(pc) =	sbr.ind lr, $3  }
0x3a: {  	_ = 	snop  }
0x3b: {  	_ = 	snop  }
0x3c: {  	p2 =	seq.s32 s10, $0x1;
	s10 =	sld [smem:$0x3FB6]  }
0x3d: {  	_ =	shalt  }
0x3e: {  	_ =	shalt  }
0x3f: {  	_ =	shalt  }
0x40: {  	_ =	shalt  }
0x41: {  	_ =	shalt  }
0x42: {  	_ =	shalt  }
0x43: {  	_ =	shalt  }
0x44: {  	_ =	shalt  }
0x45: {  	_ =	shalt  }
0x46: {  	_ =	shalt  }
0x47: {  	_ =	shalt  }
0x48: {  	_ =	shalt  }
0x49: {  	_ =	shalt  }
0x4a: {  	_ =	shalt  }
0x4b: {  	_ =	shalt  }
0x4c: {  	_ =	shalt  }
0x4d: {  	_ =	shalt  }
0x4e: {  	_ =	shalt  }
0x4f: {  	_ =	shalt  }
0x50: {  	_ =	shalt  }
0x51: {  	_ =	shalt  }
0x52: {  	_ =	shalt  }
0x53: {  	_ =	shalt  }
0x54: {  	_ =	shalt  }
0x55: {  	_ =	shalt  }
0x56: {  	_ =	shalt  }
0x57: {  	_ =	shalt  }
0x58: {  	_ =	shalt  }
0x59: {  	_ =	shalt  }
0x5a: {  	_ =	shalt  }
0x5b: {  	_ =	shalt  }
0x5c: {  	_ =	shalt  }
0x5d: {  	_ =	shalt  }
0x5e: {  	_ =	shalt  }
0x5f: {  	_ =	shalt  }
0x60: {  	_ =	shalt  }
0x61: {  	_ =	shalt  }
0x62: {  	_ =	shalt  }
0x63: {  	_ =	shalt  }
0x64: {  	_ =	shalt  }
0x65: {  	_ =	shalt  }
0x66: {  	_ =	shalt  }
0x67: {  	_ =	shalt  }
0x68: {  	_ =	shalt  }
0x69: {  	_ =	shalt  }
0x6a: {  	_ =	shalt  }
0x6b: {  	_ =	shalt  }
0x6c: {  	_ =	shalt  }
0x6d: {  	_ =	shalt  }
0x6e: {  	_ =	shalt  }
0x6f: {  	_ =	shalt  }
0x70: {  	_ =	shalt  }
0x71: {  	_ =	shalt  }
0x72: {  	_ =	shalt  }
0x73: {  	_ =	shalt  }
0x74: {  	_ =	shalt  }
0x75: {  	_ =	shalt  }
0x76: {  	_ =	shalt  }
0x77: {  	_ =	shalt  }
0x78: {  	_ =	shalt  }
0x79: {  	_ =	shalt  }
0x7a: {  	_ =	shalt  }
0x7b: {  	_ =	shalt  }
0x7c: {  	_ =	shalt  }
0x7d: {  	_ =	shalt  }
0x7e: {  	_ =	shalt  }
0x7f: {  	_ =	shalt  }
0x80: {  	_ =	shalt  }
0x81: {  	_ =	shalt  }
0x82: {  	_ =	shalt  }
0x83: {  	_ =	shalt  }
0x84: {  	_ =	shalt  }
0x85: {  	_ =	shalt  }
0x86: {  	_ =	shalt  }
0x87: {  	_ =	shalt  }
.Lfunc_end0:
.L_simem_size_0:
called_computation_lowered:
.L_overlay_start_0:
0x88: {  	s2 =	sld [smem:$0x3FD9]  }
0x89: {  	s3 =	sld [smem:$0x3FFE];
	_ =	sdelay $0x1  }
0x8a: {  	s1 =	srdreg.scid  }
0x8b: {  	s0 =	sand.u32 $0x1, s1  }
0x8c: {  	s14 =	sshll.u32 s0, $0xA;
	s2 =	sadd.s32 s3, s2  }
0x8d: {  	s2 =	sadd.s32 s2, s14  }
0x8e: {  	[smem:$0x3FC2] =	sst s2  }
0x8f: {  	_ = 	snop  }
0x90: {  	s2 =	sld [smem:$0x3FD0];
	_ =	sdelay $0x2  }
0x91: {  	s15 =	simm.s32 $0xA;
	s4 =	simm.s32 $0x10  }
0x92: {  	[smem:s4], [sflag:s15] =	dma.local [hbm:s2], $0x1  }
0x93: {  	_ =	swait.eq [sflag:s15], $0x1  }
0x94: {  	[sflag:s15] =	ssyncset.done $0x0  }
0x95: {  	s16 =	sld [smem:$0x10];
	[sflag:s15] =	ssyncadd.s32 $0xFFFFFFFF  }
0x96: {  	s17 =	sld [smem:$0x12];
	(tm) =	ssettm $0x1  }
0x97: {  	s18 =	sld [smem:$0x3FFB];
	_ =	sdelay $0x3  }
0x98: {  	_ =	strace s18  }
0x99: {  	s4 =	sld [smem:$0x3FFC];
	_ =	sdelay $0x3  }
0x9a: {  	_ =	strace s4  }
0x9b: {  	s4 =	sld [smem:$0x3FFD];
	_ =	sdelay $0x3  }
0x9c: {  	_ =	strace s4  }
0x9d: {  	_ =	strace $0x8FFFFFFF  }
0x9e: {  	s19 =	sld [smem:$0x3FDB];
	_ =	sdelay $0x1  }
0x9f: {  	s5 =	simm.s32 $_scs_section_size  }
0xa0: {  	s6 =	simm.s32 $_size__tile_overlayer_lowered;
	s7 =	simm.s32 $_tile_overlayer_lowered  }
0xa1: {  	s22 =	simm.s32 $0x1BFF;
	s21 =	sshll.u32 s7, $0x1;
	s4 =	sadd.s32 s5, s19  }
0xa2: {  	s8 =	simm.s32 $0x0;
	s20 =	sshll.u32 s6, $0x1;
	s6 =	sadd.s32 s21, s4  }
0xa3: {  	[timem:s8], [sflag:s22] =	dma.local [hbm:s6], s20  }
0xa4: {  	_ =	swait.ge [sflag:s22], s20  }
0xa5: {  	s5 =	ssub.s32 $0x0, s20;
	[sflag:s22] =	ssyncset.done $0x0  }
0xa6: {  	[sflag:s22] =	ssyncadd.s32 s5;
	_ =	sdelay $0x1  }
0xa7: {  	s23 =	simm.s32 $0x1B8B  }
0xa8: {  	_ =	swait.ge [sflag:s23], $0x1  }
0xa9: {  	[sflag:s23] =	ssyncset.done $0x0  }
0xaa: {  	s25 =	simm.s32 $0x1B8E;
	s24 =	sld [smem:$0x3FFE];
	[sflag:s23] =	ssyncadd.s32 $0xFFFFFFFF  }
0xab: {  	s26 =	simm.s32 $execute0_lowered;
	[smem:$0x3FD2] =	sst s25  }
0xac: {  	s6 =	sshll.u32 s26, $0x1;
	_ =	strace $0x80000046;
	[dreg:$0x1] =	wrdreg $0xFFFFFFFF  }
0xad: {  	s28 =	simm.s32 $_size_execute0_lowered;
	s4 =	sadd.s32 s4, s6;
	[dreg:$0x0] =	wrdreg $0x0  }
0xae: {  	s6 =	sshll.u32 s28, $0x1;
	[dreg:$0x2] =	wrdreg s4  }
0xaf: {  	[dreg:$0x3] =	wrdreg s6  }
0xb0: {  	[dreg:$0x4] =	wrdreg $0xC0  }
0xb1: {  	_ =	task [dreg:s8], $0x5FFFF  }
0xb2: {  	[dreg:$0x1] =	wrdreg $0xFFFFFFFF  }
0xb3: {  	[dreg:$0x0] =	wrdreg $0x60  }
0xb4: {  	[dreg:$0x2] =	wrdreg s17  }
0xb5: {  	[dreg:$0x3] =	wrdreg s16  }
0xb6: {  	[dreg:$0x4] =	wrdreg s24  }
0xb7: {  	[dreg:$0x5] =	wrdreg $0x9  }
0xb8: {  	_ =	task.clear_ibuf [dreg:s8], $0x6FFFF;
	_ =	strace $0x90000046  }
0xb9: {  	s29 =	simm.s32 $0x9;
	_ =	strace $0x80000048  }
0xba: {  	_ =	swait.ge [sflag:s29], $0x1  }
0xbb: {  	[sflag:s29] =	ssyncadd.s32 $0xFFFFFFFF  }
0xbc: {  	_ =	strace $0x90000048  }
0xbd: {  	_ =	sfence  }
0xbe: {  	s30 =	sld [smem:$0x0];
	_ =	sdelay $0x2  }
0xbf: {  	s31 =	sshll.u32 s1, $0xD;
	s1 =	sshrl.u32 s1, $0x2  }
0xc0: {  	s3 =	sand.u32 $0x4000, s31;
	s1 =	sadd.s32 s1, s30  }
0xc1: {  	s0 =	sor.u32 s3, s0;
	s1 =	sshll.u32 s1, $0x11  }
0xc2: {  	s0 =	sor.u32 s1, s0  }
0xc3: {  	s0 =	sadd.s32 $0x8F2B, s0  }
0xc4: {  	[sflag:s0] =	ssyncadd.remote.s32 $0x1  }
0xc5: {  	_ =	sfence.sel $0xFFFF  }
0xc6: {  	[dreg:$0x0] =	wrdreg $0xFFFFFFFF;
	(pc) =	sbr.abs _section_cstart, $3  }
0xc7: {  	[dreg:$0x1] =	wrdreg $0xFFFFFFFF  }
0xc8: {  	_ =	task.clear_ibuf [dreg:s8], $0x2FFFF;
	_ =	strace $0x9FFFFFFF  }
0xc9: {  	(tm) =	ssettm $0x7FFFFFFF  }
tec
execute0_lowered:
.L_overlay_start_1:
0x0: {  	(tag) =	ssettag $0x1  }
0x1: {  	s4 =	rddreg [dreg:$0x0]  }
0x2: {  	s1 =	srdreg.scid;
	s0 =	stileid.u32  }
0x3: {  	s2 =	rddreg [dreg:$0x1];
	s6 =	sand.u32 $0x1, s1;
	s30 =	sshll.u32 s0, $0x1  }
0x4: {  	s9 =	rddreg [dreg:$0x2];
	s3 =	simm.s32 $0x0;
	s7 =	sor.u32 s6, s30  }
0x5: {  	s8 =	simm.s32 $0x1;
	[smem:$0x7FF] =	sst s3;
	s5 =	smul.u32 $0x21, s7  }
0x6: {  	s1 =	rddreg [dreg:$0x3];
	_ =	strace $0x80000047;
	s11 =	ssub.s32 $0x2, s6  }
0x7: {  	s6 =	simm.s32 $0x108;
	s5 =	sadd.s32 s4, s5;
	s4 =	simm.s32 $0x2  }
0x8: {  	[tilespmem:s3], [sflag:$0x2] =	stream.linear.gather [hbm4b:s5+s3], $0x108, $0x38;
	[tilespmem:$0x8580] =	vst v63  }
0x9: {  	s10 =	smul.u32 $0x1080, s7;
	s12 =	sshrl.u32 s11, $0x1;
	_ =	swait.ge [sflag:s4], $0x108  }
0xa: {  	s7 =	simm.s32 $0x180;
	s31 =	ssub.s32 s11, s12;
	[sflag:s4] =	ssyncset.done $0x0  }
0xb: {  	s9 =	sadd.s32 s10, s9;
	s10 =	smax.u32 s31, $0x1;
	[sflag:s4] =	ssyncadd.s32 $0xFFFFFEF8  }
0xc: {  	[tilespmem:s7], [sflag:$0x1] =	stream.indirect.gather [hbm4b:s2+s6], $0x80, s3, s6, $0xb8;
	[tilespmem:$0x8580] =	vst v63  }
0xd: {  	p0 =	sne.s32 s10, $0x1;
	_ =	swait.ge [sflag:s8], $0x8400  }
.Ltmp0:
0xe: {  	[sflag:s8] =	ssyncset.done $0x0;
	(pc) =	sbr.rel @!p0 .LBB2_2-.Ltmp0, $4  }
0xf: {  	s9 =	sadd.s32 $0x1800, s9;
	[sflag:s8] =	ssyncadd.s32 $0xFFFF7C00  }
0x10: {  	[hbm4b:s9+s3] =	stream.linear.scatter [tilespmem:s7], [sflag:$0x2], $0x8400, $0x38;
	[tilespmem:$0x8580] =	vst v63  }
0x11: {  	_ =	swait.ge [sflag:s4], $0x8400  }
0x12: {  	s10 =	sadd.s32 $0xFFFFFFFF, s10;
	[sflag:s4] =	ssyncset.done $0x0  }
.LBB2_1:
0x13: {  	p0 =	sne.s32 s10, $0x1;
	s10 =	sadd.s32 $0xFFFFFFFF, s10;
	[sflag:s4] =	ssyncadd.s32 $0xFFFF7C00  }
0x14: {  	[tilespmem:s3], [sflag:$0x2] =	stream.linear.gather [hbm4b:s5+s3], $0x108, $0x38;
	[tilespmem:$0x8580] =	vst v63  }
0x15: {  	_ =	swait.ge [sflag:s4], $0x108  }
0x16: {  	[sflag:s4] =	ssyncset.done $0x0  }
0x17: {  	[sflag:s4] =	ssyncadd.s32 $0xFFFFFEF8  }
0x18: {  	[tilespmem:s7], [sflag:$0x1] =	stream.indirect.gather [hbm4b:s2+s6], $0x80, s3, s6, $0xb8;
	[tilespmem:$0x8580] =	vst v63  }
0x19: {  	_ =	swait.ge [sflag:s8], $0x8400  }
.Ltmp1:
0x1a: {  	[sflag:s8] =	ssyncset.done $0x0;
	(pc) =	sbr.rel @p0 .LBB2_1-.Ltmp1, $4  }
0x1b: {  	[sflag:s8] =	ssyncadd.s32 $0xFFFF7C00  }
0x1c: {  	[hbm4b:s9+s3] =	stream.linear.scatter [tilespmem:s7], [sflag:$0x2], $0x8400, $0x38;
	[tilespmem:$0x8580] =	vst v63  }
0x1d: {  	_ =	swait.ge [sflag:s4], $0x8400  }
0x1e: {  	[sflag:s4] =	ssyncset.done $0x0  }
.LBB2_2:
0x1f: {  	[sflag:s4] =	ssyncadd.s32 $0xFFFF7C00  }
0x20: {  	_ =	sfence.sel $0x180000  }
0x21: {  	[bflag:$0x0] =	sbarrier.arrive $0xFFFF  }
0x22: {  	p0 =	sne.s32 s0, $0x0;
	_ =	strace $0x90000047  }
0x23: {  	s0 =	sadd.s32 @!p0 $0x100000, s1;
	[bflag:$0x2] =	sbarrier.arrive $0xFFFF  }
0x24: {  	[sflag:s0] =	ssyncadd.tile.s32 @!p0 $0x1;
	_ =	shalt  }
.Lfunc_end2:
_tile_overlayer_lowered:
.L_overlay_start_2:
0x25: {  	(tag) =	ssettag $0x2  }
0x26: {  	s0 =	rddreg [dreg:$0x0];
	s2 =	stileid.u32  }
0x27: {  	s1 =	rddreg [dreg:$0x1];
	p0 =	sne.s32 s2, $0x0  }
0x28: {  	s3 =	rddreg [dreg:$0x2];
	[bflag:$0x3] =	sbarrier.arrive $0xFFFF;
	s2 =	simm.s32 @!p0 $0x1C02  }
0x29: {  	[timem:s3], [sflag:s2] =	dma.local @!p0 [hbm:s0], s1  }
0x2a: {  	s0 =	simm.s32 @!p0 $0x2  }
0x2b: {  	_ =	swait.ge @!p0 [sflag:s0], s1  }
0x2c: {  	s1 =	ssub.s32 @!p0 $0x0, s1;
	[sflag:s0] =	ssyncset.done @!p0 $0x0  }
0x2d: {  	[sflag:s0] =	ssyncadd.s32 @!p0 s1  }
0x2e: {  	[bflag:$0x3] =	sbarrier.arrive $0xFFFF  }
0x2f: {  	_ =	shalt  }

</sc_bundles>
